<compile_context>
chip_gen: v7x
topology: tpu7x:2x2x1
jax: 0.10.2.dev20260603
libtpu: 0.0.44.dev20260713+nightly
codegen_flags: <defaults>
</compile_context>

<pallas_src>
import jax
import jax.numpy as jnp
from jax import lax
from jax.experimental import pallas as pl
from jax.experimental.pallas import tpu as pltpu
from jax.experimental.pallas import tpu_sc as plsc

N = 10000
D = 128
E = 320000
G = 64
O = 64

NC = 2
NS = 16
NW = NC * NS

NP = 10240
K = 128
C = 80
EP = NW * C * K
RPT = NP // NS

_mesh = plsc.VectorSubcoreMesh(core_axis_name="c", subcore_axis_name="s")



def _deg_body(dst_hbm, zeros_hbm, out_hbm, dst_v, ones_v, acc):
    cid = lax.axis_index("c")
    sid = lax.axis_index("s")
    wid = sid * NC + cid

    @pl.when(sid == 0)
    def _():
        pltpu.sync_copy(zeros_hbm, acc)
    for j in range(K // 16):
        ones_v[pl.ds(j * 16, 16)] = jnp.ones((16,), jnp.float32)
    plsc.subcore_barrier()

    pltpu.sync_copy(dst_hbm.at[wid], dst_v)

    def chunk(c, carry):
        pltpu.sync_copy(ones_v, acc.at[dst_v.at[c]], add=True)
        return carry
    lax.fori_loop(0, C, chunk, 0)

    plsc.subcore_barrier()
    pltpu.sync_copy(acc.at[pl.ds(sid * RPT, RPT)],
                    out_hbm.at[cid, pl.ds(sid * RPT, RPT)])


_deg_call = pl.kernel(
    _deg_body,
    out_type=jax.ShapeDtypeStruct((NC, NP), jnp.float32),
    mesh=_mesh,
    scratch_types=[
        pltpu.VMEM((C, K), jnp.int32),
        pltpu.VMEM((K,), jnp.float32),
        pltpu.VMEM_SHARED((NP,), jnp.float32),
    ],
)



def _agg_body(m_hbm, src_hbm, dst_hbm, zeros_hbm, out_hbm,
              si0, si1, di0, di1, rows0, rows1, is0, is1, g0, g1, ss0, ss1, acc):
    cid = lax.axis_index("c")
    sid = lax.axis_index("s")
    wid = sid * NC + cid

    def fetch(c, si, di, sem):
        pltpu.async_copy(src_hbm.at[wid, c], si, sem)
        pltpu.async_copy(dst_hbm.at[wid, c], di, sem)

    def fetch_wait(c, si, di, sem):
        pltpu.make_async_copy(src_hbm.at[wid, c], si, sem).wait()
        pltpu.make_async_copy(dst_hbm.at[wid, c], di, sem).wait()

    fetch(0, si0, di0, is0)
    fetch(1, si1, di1, is1)
    fetch_wait(0, si0, di0, is0)
    pltpu.async_copy(m_hbm.at[si0], rows0, g0)
    pltpu.sync_copy(zeros_hbm.at[pl.ds(sid * RPT, RPT)],
                    acc.at[pl.ds(sid * RPT, RPT)])
    plsc.subcore_barrier()

    C2 = C // 2

    def chunk(j, carry):
        c0 = 2 * j
        fetch_wait(c0 + 1, si1, di1, is1)
        pltpu.async_copy(m_hbm.at[si1], rows1, g1)
        pltpu.make_async_copy(m_hbm.at[si0], rows0, g0).wait()
        pltpu.async_copy(rows0, acc.at[di0], ss0, add=True)
        pltpu.make_async_copy(m_hbm.at[si1], rows1, g1).wait()
        pltpu.async_copy(rows1, acc.at[di1], ss1, add=True)

        @pl.when(j + 1 < C2)
        def _():
            pltpu.make_async_copy(rows0, acc.at[di0], ss0).wait()
            fetch(c0 + 2, si0, di0, is0)
            fetch_wait(c0 + 2, si0, di0, is0)
            pltpu.async_copy(m_hbm.at[si0], rows0, g0)
            pltpu.make_async_copy(rows1, acc.at[di1], ss1).wait()
            fetch(c0 + 3, si1, di1, is1)
        return carry
    lax.fori_loop(0, C2, chunk, 0)

    pltpu.make_async_copy(rows0, acc.at[di0], ss0).wait()
    pltpu.make_async_copy(rows1, acc.at[di1], ss1).wait()
    plsc.subcore_barrier()
    pltpu.sync_copy(acc.at[pl.ds(sid * RPT, RPT)],
                    out_hbm.at[cid, pl.ds(sid * RPT, RPT)])


_agg_call = pl.kernel(
    _agg_body,
    out_type=jax.ShapeDtypeStruct((NC, NP, D), jnp.float32),
    mesh=_mesh,
    scratch_types=[
        pltpu.VMEM((K,), jnp.int32),
        pltpu.VMEM((K,), jnp.int32),
        pltpu.VMEM((K,), jnp.int32),
        pltpu.VMEM((K,), jnp.int32),
        pltpu.VMEM((K, D), jnp.float32),
        pltpu.VMEM((K, D), jnp.float32),
        pltpu.SemaphoreType.DMA,
        pltpu.SemaphoreType.DMA,
        pltpu.SemaphoreType.DMA,
        pltpu.SemaphoreType.DMA,
        pltpu.SemaphoreType.DMA,
        pltpu.SemaphoreType.DMA,
        pltpu.VMEM_SHARED((NP, D), jnp.float32),
    ],
)



R = 1024
NB = NP // R


def _mm_body(x_ref, w1_ref, m1r_ref):
    m1r_ref[...] = jnp.dot(x_ref[...], w1_ref[...],
                           preferred_element_type=jnp.float32)


def _mm_call(x_pad, W1):
    return pl.pallas_call(
        _mm_body,
        grid=(NB,),
        in_specs=[
            pl.BlockSpec((R, D), lambda i: (i, 0)),
            pl.BlockSpec((D, D), lambda i: (0, 0)),
        ],
        out_specs=pl.BlockSpec((R, D), lambda i: (i, 0)),
        out_shape=jax.ShapeDtypeStruct((NP, D), jnp.float32),
    )(x_pad, W1)


def _prep_body(deg_ref, m1r_ref, m1_ref, dinv_ref):
    i = pl.program_id(0)
    deg = deg_ref[0] + deg_ref[1] + 1.0
    rows = (jax.lax.broadcasted_iota(jnp.int32, (R, 1), 0) + i * R)
    valid = jnp.where(rows < N, 1.0, 0.0)
    dinv = jax.lax.rsqrt(deg)[:, None] * valid
    dinv_ref[...] = dinv
    m1_ref[...] = m1r_ref[...] * dinv


def _prep_call(deg2, m1r):
    return pl.pallas_call(
        _prep_body,
        grid=(NB,),
        in_specs=[
            pl.BlockSpec((2, R), lambda i: (0, i)),
            pl.BlockSpec((R, D), lambda i: (i, 0)),
        ],
        out_specs=[
            pl.BlockSpec((R, D), lambda i: (i, 0)),
            pl.BlockSpec((R, 1), lambda i: (i, 0)),
        ],
        out_shape=[
            jax.ShapeDtypeStruct((NP, D), jnp.float32),
            jax.ShapeDtypeStruct((NP, 1), jnp.float32),
        ],
    )(deg2, m1r)


def _mid_body(a0_ref, a1_ref, m1_ref, dinv_ref, b1_ref, w2_ref, m2_ref):
    dinv = dinv_ref[...]
    h1 = jnp.maximum((a0_ref[...] + a1_ref[...] + m1_ref[...]) * dinv
                     + b1_ref[...], 0.0)
    m2_ref[...] = jnp.dot(h1, w2_ref[...],
                          preferred_element_type=jnp.float32) * dinv


def _mid_call(a0, a1, m1p, dinv, b1r, W2):
    return pl.pallas_call(
        _mid_body,
        grid=(NB,),
        in_specs=[
            pl.BlockSpec((R, D), lambda i: (i, 0)),
            pl.BlockSpec((R, D), lambda i: (i, 0)),
            pl.BlockSpec((R, D), lambda i: (i, 0)),
            pl.BlockSpec((R, 1), lambda i: (i, 0)),
            pl.BlockSpec((1, D), lambda i: (0, 0)),
            pl.BlockSpec((D, D), lambda i: (0, 0)),
        ],
        out_specs=pl.BlockSpec((R, D), lambda i: (i, 0)),
        out_shape=jax.ShapeDtypeStruct((NP, D), jnp.float32),
    )(a0, a1, m1p, dinv, b1r, W2)


def _final_body(a0_ref, a1_ref, m2_ref, dinv_ref, b2_ref, batch_ref,
                wf1_ref, bf1_ref, wf2_ref, bf2_ref, out_ref,
                pooled_acc, cnt_acc):
    i = pl.program_id(0)

    @pl.when(i == 0)
    def _():
        pooled_acc[...] = jnp.zeros((G, D), jnp.float32)
        cnt_acc[...] = jnp.zeros((G, 1), jnp.float32)

    h2 = jnp.maximum((a0_ref[...] + a1_ref[...] + m2_ref[...]) * dinv_ref[...]
                     + b2_ref[...], 0.0)
    b_row = batch_ref[...].reshape(1, R)
    gids = jax.lax.broadcasted_iota(jnp.int32, (G, R), 0).astype(jnp.float32)
    mask = jnp.where(gids == b_row, 1.0, 0.0)
    pooled_acc[...] += jnp.dot(mask, h2, preferred_element_type=jnp.float32)
    cnt_acc[...] += jnp.sum(mask, axis=1, keepdims=True)

    @pl.when(i == NB - 1)
    def _():
        pooled = pooled_acc[...] / jnp.maximum(cnt_acc[...], 1.0)
        z = jnp.maximum(jnp.dot(pooled, wf1_ref[...],
                                preferred_element_type=jnp.float32)
                        + bf1_ref[...], 0.0)
        out_ref[...] = jnp.dot(z, wf2_ref[...],
                               preferred_element_type=jnp.float32) + bf2_ref[...]


def _final_call(a0, a1, m2p, dinv, b2r, batch3, Wf1, bf1r, Wf2, bf2r):
    return pl.pallas_call(
        _final_body,
        grid=(NB,),
        in_specs=[
            pl.BlockSpec((R, D), lambda i: (i, 0)),
            pl.BlockSpec((R, D), lambda i: (i, 0)),
            pl.BlockSpec((R, D), lambda i: (i, 0)),
            pl.BlockSpec((R, 1), lambda i: (i, 0)),
            pl.BlockSpec((1, D), lambda i: (0, 0)),
            pl.BlockSpec((1, 1, R), lambda i: (i, 0, 0)),
            pl.BlockSpec((D, D // 2), lambda i: (0, 0)),
            pl.BlockSpec((1, D // 2), lambda i: (0, 0)),
            pl.BlockSpec((D // 2, O), lambda i: (0, 0)),
            pl.BlockSpec((1, O), lambda i: (0, 0)),
        ],
        out_specs=pl.BlockSpec((G, O), lambda i: (0, 0)),
        out_shape=jax.ShapeDtypeStruct((G, O), jnp.float32),
        scratch_shapes=[
            pltpu.VMEM((G, D), jnp.float32),
            pltpu.VMEM((G, 1), jnp.float32),
        ],
    )(a0, a1, m2p, dinv, b2r, batch3, Wf1, bf1r, Wf2, bf2r)



@jax.jit
def kernel(x, edge_index, batch, W1, b1, W2, b2, Wf1, bf1, Wf2, bf2):
    x_pad = jnp.zeros((NP, D), x.dtype).at[:N].set(x)
    npad = EP - E
    pad_idx = (N + (jnp.arange(npad, dtype=jnp.int32) % (NP - N))).astype(jnp.int32)
    src = jnp.concatenate([edge_index[0], pad_idx]).reshape(NW, C, K)
    dst = jnp.concatenate([edge_index[1], pad_idx]).reshape(NW, C, K)

    zeros1 = jnp.zeros((NP,), jnp.float32)
    zerosD = jnp.zeros((NP, D), jnp.float32)

    m1r = _mm_call(x_pad, W1)
    deg2 = _deg_call(dst, zeros1)

    m1p, dinv = _prep_call(deg2, m1r)

    agg1 = _agg_call(m1p, src, dst, zerosD)
    m2p = _mid_call(agg1[0], agg1[1], m1p, dinv, b1.reshape(1, D), W2)

    agg2 = _agg_call(m2p, src, dst, zerosD)

    batch3 = jnp.concatenate(
        [batch.astype(jnp.float32), jnp.full((NP - N,), float(G), jnp.float32)]
    ).reshape(NB, 1, R)
    return _final_call(agg2[0], agg2[1], m2p, dinv, b2.reshape(1, D),
                       batch3, Wf1, bf1.reshape(1, D // 2), Wf2,
                       bf2.reshape(1, O))

# --- scband reference (transcript-rebuilt; emitter-appended) ---
"""Pipeline reference for scband-gnn-61117384622111 (READ-ONLY COPY).

The authoritative reference and input builder live on the scoring server;
editing this copy changes nothing except your own understanding.
"""

import jax, jax.numpy as jnp
import numpy as np

N = 10000
E = 320000
D = 128
H = 128
O = 64
G = 64


def setup_inputs(seed: int = 0) -> dict:
    key = jax.random.key(seed)
    ks = jax.random.split(key, 12)
    x = jax.random.normal(ks[0], (N, D), dtype=jnp.float32)
    edge_index = jax.random.randint(ks[1], (2, E), 0, N, dtype=jnp.int32)
    batch = jnp.sort(jax.random.randint(ks[2], (N,), 0, G, dtype=jnp.int32))
    W1 = jax.random.normal(ks[3], (D, H), dtype=jnp.float32) * 0.05
    b1 = jnp.zeros((H,), dtype=jnp.float32)
    W2 = jax.random.normal(ks[4], (H, H), dtype=jnp.float32) * 0.05
    b2 = jnp.zeros((H,), dtype=jnp.float32)
    Wf1 = jax.random.normal(ks[5], (H, H // 2), dtype=jnp.float32) * 0.05
    bf1 = jnp.zeros((H // 2,), dtype=jnp.float32)
    Wf2 = jax.random.normal(ks[6], (H // 2, O), dtype=jnp.float32) * 0.05
    bf2 = jnp.zeros((O,), dtype=jnp.float32)
    return {"x": x, "edge_index": edge_index, "batch": batch,
            "W1": W1, "b1": b1, "W2": W2, "b2": b2,
            "Wf1": Wf1, "bf1": bf1, "Wf2": Wf2, "bf2": bf2}


def _gcn_conv(x, edge_index, W, b):
    # GCNConv with added self-loops and symmetric normalization (PyG semantics)
    self_loop = jnp.arange(N, dtype=edge_index.dtype)
    src = jnp.concatenate([edge_index[0], self_loop])
    dst = jnp.concatenate([edge_index[1], self_loop])
    ones = jnp.ones(src.shape[0], dtype=x.dtype)
    deg = jax.ops.segment_sum(ones, dst, num_segments=N)
    dinv = jax.lax.rsqrt(jnp.clip(deg, 1.0))
    norm = dinv[src] * dinv[dst]
    h = x @ W
    msg = h[src] * norm[:, None]
    out = jax.ops.segment_sum(msg, dst, num_segments=N)
    return out + b


def reference(x, edge_index, batch, W1, b1, W2, b2, Wf1, bf1, Wf2, bf2):
    h = jax.nn.relu(_gcn_conv(x, edge_index, W1, b1))
    h = jax.nn.relu(_gcn_conv(h, edge_index, W2, b2))
    # global_mean_pool over batch assignment
    counts = jax.ops.segment_sum(jnp.ones((N,), dtype=h.dtype), batch, num_segments=G)
    summed = jax.ops.segment_sum(h, batch, num_segments=G)
    pooled = summed / jnp.clip(counts, 1.0)[:, None]
    z = jax.nn.relu(pooled @ Wf1 + bf1)
    return z @ Wf2 + bf2

if __name__ == "__main__":
    import jax
    _d = setup_inputs()
    print(jax.jit(kernel)(*tuple(_d.values())))

</pallas_src>

<mosaic_0001>
#map = affine_map<(d0, d1) -> (0, 0)>
#map1 = affine_map<(d0, d1) -> (0, 0, 0)>
module attributes {stable_mosaic.version = 14 : i64} {
  func.func @_agg_body(%arg0: i32, %arg1: i32, %arg2: memref<10240x128xf32, #tpu.memory_space<hbm>>, %arg3: memref<32x80x128xi32, #tpu.memory_space<hbm>>, %arg4: memref<32x80x128xi32, #tpu.memory_space<hbm>>, %arg5: memref<10240x128xf32, #tpu.memory_space<hbm>>, %arg6: memref<2x10240x128xf32, #tpu.memory_space<hbm>>, %arg7: memref<128xi32, #tpu.memory_space<vmem>>, %arg8: memref<128xi32, #tpu.memory_space<vmem>>, %arg9: memref<128xi32, #tpu.memory_space<vmem>>, %arg10: memref<128xi32, #tpu.memory_space<vmem>>, %arg11: memref<128x128xf32, #tpu.memory_space<vmem>>, %arg12: memref<128x128xf32, #tpu.memory_space<vmem>>, %arg13: memref<!tpu.dma_semaphore, #tpu.memory_space<semaphore_mem>>, %arg14: memref<!tpu.dma_semaphore, #tpu.memory_space<semaphore_mem>>, %arg15: memref<!tpu.dma_semaphore, #tpu.memory_space<semaphore_mem>>, %arg16: memref<!tpu.dma_semaphore, #tpu.memory_space<semaphore_mem>>, %arg17: memref<!tpu.dma_semaphore, #tpu.memory_space<semaphore_mem>>, %arg18: memref<!tpu.dma_semaphore, #tpu.memory_space<semaphore_mem>>, %arg19: memref<10240x128xf32, #tpu.memory_space<vmem_shared>>) attributes {dimension_semantics = [#tpu.dimension_semantics<core_parallel>, #tpu.dimension_semantics<subcore_parallel>], iteration_bounds = array<i64: 2, 16>, scalar_prefetch = 0 : i64, scratch_operands = 13 : i64, tpu.core_type = #tpu.core_type<sc_vector_subcore>, window_params = [{transform_indices = #map}, {transform_indices = #map1}, {transform_indices = #map1}, {transform_indices = #map}, {transform_indices = #map1}]} {
    %mul3A = arith.constant 2 : i32
    %mul3A_0 = arith.muli %arg1, %mul3A : i32
    %add3A = arith.addi %mul3A_0, %arg0 : i32
    %dma_start3A = arith.constant 0 : i32
    %dma_start3A_1 = arith.constant 0 : i32
    %dma_start3A_2 = tpu.memref_slice %arg3[%add3A, %dma_start3A, %dma_start3A_1] : memref<32x80x128xi32, #tpu.memory_space<hbm>> -> memref<1x1x128xi32, #tpu.memory_space<hbm>>
    %dma_start3A_3 = tpu.memref_squeeze %dma_start3A_2 : memref<1x1x128xi32, #tpu.memory_space<hbm>> -> memref<128xi32, #tpu.memory_space<hbm>>
    %dma_start3A_4 = arith.constant 0 : i32
    %dma_start3A_5 = tpu.memref_slice %arg3[%add3A, %dma_start3A, %dma_start3A_4] : memref<32x80x128xi32, #tpu.memory_space<hbm>> -> memref<1x1x128xi32, #tpu.memory_space<hbm>>
    %dma_start3A_6 = tpu.memref_squeeze %dma_start3A_5 : memref<1x1x128xi32, #tpu.memory_space<hbm>> -> memref<128xi32, #tpu.memory_space<hbm>>
    tpu.enqueue_dma source(%dma_start3A_6 : memref<128xi32, #tpu.memory_space<hbm>>) target(%arg7 : memref<128xi32, #tpu.memory_space<vmem>>) target_semaphore(%arg13 : memref<!tpu.dma_semaphore, #tpu.memory_space<semaphore_mem>>)
    %dma_start3A_7 = arith.constant 0 : i32
    %dma_start3A_8 = arith.constant 0 : i32
    %dma_start3A_9 = tpu.memref_slice %arg4[%add3A, %dma_start3A_7, %dma_start3A_8] : memref<32x80x128xi32, #tpu.memory_space<hbm>> -> memref<1x1x128xi32, #tpu.memory_space<hbm>>
    %dma_start3A_10 = tpu.memref_squeeze %dma_start3A_9 : memref<1x1x128xi32, #tpu.memory_space<hbm>> -> memref<128xi32, #tpu.memory_space<hbm>>
    %dma_start3A_11 = arith.constant 0 : i32
    %dma_start3A_12 = tpu.memref_slice %arg4[%add3A, %dma_start3A_7, %dma_start3A_11] : memref<32x80x128xi32, #tpu.memory_space<hbm>> -> memref<1x1x128xi32, #tpu.memory_space<hbm>>
    %dma_start3A_13 = tpu.memref_squeeze %dma_start3A_12 : memref<1x1x128xi32, #tpu.memory_space<hbm>> -> memref<128xi32, #tpu.memory_space<hbm>>
    tpu.enqueue_dma source(%dma_start3A_13 : memref<128xi32, #tpu.memory_space<hbm>>) target(%arg9 : memref<128xi32, #tpu.memory_space<vmem>>) target_semaphore(%arg13 : memref<!tpu.dma_semaphore, #tpu.memory_space<semaphore_mem>>)
    %dma_start3A_14 = arith.constant 1 : i32
    %dma_start3A_15 = arith.constant 0 : i32
    %dma_start3A_16 = tpu.memref_slice %arg3[%add3A, %dma_start3A_14, %dma_start3A_15] : memref<32x80x128xi32, #tpu.memory_space<hbm>> -> memref<1x1x128xi32, #tpu.memory_space<hbm>>
    %dma_start3A_17 = tpu.memref_squeeze %dma_start3A_16 : memref<1x1x128xi32, #tpu.memory_space<hbm>> -> memref<128xi32, #tpu.memory_space<hbm>>
    %dma_start3A_18 = arith.constant 0 : i32
    %dma_start3A_19 = tpu.memref_slice %arg3[%add3A, %dma_start3A_14, %dma_start3A_18] : memref<32x80x128xi32, #tpu.memory_space<hbm>> -> memref<1x1x128xi32, #tpu.memory_space<hbm>>
    %dma_start3A_20 = tpu.memref_squeeze %dma_start3A_19 : memref<1x1x128xi32, #tpu.memory_space<hbm>> -> memref<128xi32, #tpu.memory_space<hbm>>
    tpu.enqueue_dma source(%dma_start3A_20 : memref<128xi32, #tpu.memory_space<hbm>>) target(%arg8 : memref<128xi32, #tpu.memory_space<vmem>>) target_semaphore(%arg14 : memref<!tpu.dma_semaphore, #tpu.memory_space<semaphore_mem>>)
    %dma_start3A_21 = arith.constant 1 : i32
    %dma_start3A_22 = arith.constant 0 : i32
    %dma_start3A_23 = tpu.memref_slice %arg4[%add3A, %dma_start3A_21, %dma_start3A_22] : memref<32x80x128xi32, #tpu.memory_space<hbm>> -> memref<1x1x128xi32, #tpu.memory_space<hbm>>
    %dma_start3A_24 = tpu.memref_squeeze %dma_start3A_23 : memref<1x1x128xi32, #tpu.memory_space<hbm>> -> memref<128xi32, #tpu.memory_space<hbm>>
    %dma_start3A_25 = arith.constant 0 : i32
    %dma_start3A_26 = tpu.memref_slice %arg4[%add3A, %dma_start3A_21, %dma_start3A_25] : memref<32x80x128xi32, #tpu.memory_space<hbm>> -> memref<1x1x128xi32, #tpu.memory_space<hbm>>
    %dma_start3A_27 = tpu.memref_squeeze %dma_start3A_26 : memref<1x1x128xi32, #tpu.memory_space<hbm>> -> memref<128xi32, #tpu.memory_space<hbm>>
    tpu.enqueue_dma source(%dma_start3A_27 : memref<128xi32, #tpu.memory_space<hbm>>) target(%arg10 : memref<128xi32, #tpu.memory_space<vmem>>) target_semaphore(%arg14 : memref<!tpu.dma_semaphore, #tpu.memory_space<semaphore_mem>>)
    %dma_wait3A = arith.constant 0 : i32
    %dma_wait3A_28 = arith.constant 0 : i32
    %dma_wait3A_29 = tpu.memref_slice %arg3[%add3A, %dma_wait3A, %dma_wait3A_28] : memref<32x80x128xi32, #tpu.memory_space<hbm>> -> memref<1x1x128xi32, #tpu.memory_space<hbm>>
    %dma_wait3A_30 = tpu.memref_squeeze %dma_wait3A_29 : memref<1x1x128xi32, #tpu.memory_space<hbm>> -> memref<128xi32, #tpu.memory_space<hbm>>
    %dma_wait3A_31 = arith.constant 0 : i32
    %dma_wait3A_32 = tpu.memref_slice %arg3[%add3A, %dma_wait3A, %dma_wait3A_31] : memref<32x80x128xi32, #tpu.memory_space<hbm>> -> memref<1x1x128xi32, #tpu.memory_space<hbm>>
    %dma_wait3A_33 = tpu.memref_squeeze %dma_wait3A_32 : memref<1x1x128xi32, #tpu.memory_space<hbm>> -> memref<128xi32, #tpu.memory_space<hbm>>
    tpu.wait_dma2 semaphore(%arg13 : memref<!tpu.dma_semaphore, #tpu.memory_space<semaphore_mem>>) src(%dma_wait3A_33 : memref<128xi32, #tpu.memory_space<hbm>>) dst(%arg7 : memref<128xi32, #tpu.memory_space<vmem>>)
    %dma_wait3A_34 = arith.constant 0 : i32
    %dma_wait3A_35 = arith.constant 0 : i32
    %dma_wait3A_36 = tpu.memref_slice %arg4[%add3A, %dma_wait3A_34, %dma_wait3A_35] : memref<32x80x128xi32, #tpu.memory_space<hbm>> -> memref<1x1x128xi32, #tpu.memory_space<hbm>>
    %dma_wait3A_37 = tpu.memref_squeeze %dma_wait3A_36 : memref<1x1x128xi32, #tpu.memory_space<hbm>> -> memref<128xi32, #tpu.memory_space<hbm>>
    %dma_wait3A_38 = arith.constant 0 : i32
    %dma_wait3A_39 = tpu.memref_slice %arg4[%add3A, %dma_wait3A_34, %dma_wait3A_38] : memref<32x80x128xi32, #tpu.memory_space<hbm>> -> memref<1x1x128xi32, #tpu.memory_space<hbm>>
    %dma_wait3A_40 = tpu.memref_squeeze %dma_wait3A_39 : memref<1x1x128xi32, #tpu.memory_space<hbm>> -> memref<128xi32, #tpu.memory_space<hbm>>
    tpu.wait_dma2 semaphore(%arg13 : memref<!tpu.dma_semaphore, #tpu.memory_space<semaphore_mem>>) src(%dma_wait3A_40 : memref<128xi32, #tpu.memory_space<hbm>>) dst(%arg9 : memref<128xi32, #tpu.memory_space<vmem>>)
    %dma_start3A_41 = arith.constant 0 : i32
    %dma_start3A_42 = arith.constant 0 : i32
    %dma_start3A_43 = tpu.memref_slice %arg2[%dma_start3A_41, %dma_start3A_42] : memref<10240x128xf32, #tpu.memory_space<hbm>> -> memref<10240x128xf32, #tpu.memory_space<hbm>>
    tpu.enqueue_indirect_dma source(%dma_start3A_43 : memref<10240x128xf32, #tpu.memory_space<hbm>>) target(%arg11 : memref<128x128xf32, #tpu.memory_space<vmem>>) offsets(%arg7 : memref<128xi32, #tpu.memory_space<vmem>>) semaphore(%arg15 : memref<!tpu.dma_semaphore, #tpu.memory_space<semaphore_mem>>)
    %mul3A_44 = arith.constant 640 : i32
    %mul3A_45 = arith.muli %arg1, %mul3A_44 : i32
    %mul3A_46 = arith.constant 640 : i32
    %mul3A_47 = arith.muli %arg1, %mul3A_46 : i32
    "tpu.region"() ({
      %run_scoped3A = tpu.sem_alloc : memref<!tpu.dma_semaphore, #tpu.memory_space<semaphore_mem>>
      %dma_start3A_64 = arith.constant 0 : i32
      %dma_start3A_65 = tpu.memref_slice %arg19[%mul3A_47, %dma_start3A_64] : memref<10240x128xf32, #tpu.memory_space<vmem_shared>> -> memref<640x128xf32, #tpu.memory_space<vmem_shared>>
      %dma_start3A_66 = arith.constant 0 : i32
      %dma_start3A_67 = tpu.memref_slice %arg5[%mul3A_45, %dma_start3A_66] : memref<10240x128xf32, #tpu.memory_space<hbm>> -> memref<640x128xf32, #tpu.memory_space<hbm>>
      tpu.enqueue_dma source(%dma_start3A_67 : memref<640x128xf32, #tpu.memory_space<hbm>>) target(%dma_start3A_65 : memref<640x128xf32, #tpu.memory_space<vmem_shared>>) target_semaphore(%run_scoped3A : memref<!tpu.dma_semaphore, #tpu.memory_space<semaphore_mem>>)
      %dma_wait3A_68 = arith.constant 0 : i32
      %dma_wait3A_69 = tpu.memref_slice %arg19[%mul3A_47, %dma_wait3A_68] : memref<10240x128xf32, #tpu.memory_space<vmem_shared>> -> memref<640x128xf32, #tpu.memory_space<vmem_shared>>
      %dma_wait3A_70 = arith.constant 0 : i32
      %dma_wait3A_71 = tpu.memref_slice %arg5[%mul3A_45, %dma_wait3A_70] : memref<10240x128xf32, #tpu.memory_space<hbm>> -> memref<640x128xf32, #tpu.memory_space<hbm>>
      tpu.wait_dma2 semaphore(%run_scoped3A : memref<!tpu.dma_semaphore, #tpu.memory_space<semaphore_mem>>) src(%dma_wait3A_71 : memref<640x128xf32, #tpu.memory_space<hbm>>) dst(%dma_wait3A_69 : memref<640x128xf32, #tpu.memory_space<vmem_shared>>)
      tpu.yield
    }) : () -> ()
    %barrier3A = arith.constant 0 : index
    tpu.barrier barrier_id(%barrier3A)
    %scan3A = arith.constant 0 : i32
    %scan3A_48 = arith.constant 0 : i32
    %scan3A_49 = arith.constant 40 : i32
    %scan3A_50 = arith.addi %scan3A_48, %scan3A_49 : i32
    %scan3A_51 = arith.constant 1 : i32
    scf.for %scan3A_64 = %scan3A_48 to %scan3A_50 step %scan3A_51  : i32 {
      %mul3A_65 = arith.constant 2 : i32
      %mul3A_66 = arith.muli %mul3A_65, %scan3A_64 : i32
      %add3A_67 = arith.constant 1 : i32
      %add3A_68 = arith.addi %mul3A_66, %add3A_67 : i32
      %dma_wait3A_69 = arith.constant 0 : i32
      %dma_wait3A_70 = tpu.memref_slice %arg3[%add3A, %add3A_68, %dma_wait3A_69] : memref<32x80x128xi32, #tpu.memory_space<hbm>> -> memref<1x1x128xi32, #tpu.memory_space<hbm>>
      %dma_wait3A_71 = tpu.memref_squeeze %dma_wait3A_70 : memref<1x1x128xi32, #tpu.memory_space<hbm>> -> memref<128xi32, #tpu.memory_space<hbm>>
      %dma_wait3A_72 = arith.constant 0 : i32
      %dma_wait3A_73 = tpu.memref_slice %arg3[%add3A, %add3A_68, %dma_wait3A_72] : memref<32x80x128xi32, #tpu.memory_space<hbm>> -> memref<1x1x128xi32, #tpu.memory_space<hbm>>
      %dma_wait3A_74 = tpu.memref_squeeze %dma_wait3A_73 : memref<1x1x128xi32, #tpu.memory_space<hbm>> -> memref<128xi32, #tpu.memory_space<hbm>>
      tpu.wait_dma2 semaphore(%arg14 : memref<!tpu.dma_semaphore, #tpu.memory_space<semaphore_mem>>) src(%dma_wait3A_74 : memref<128xi32, #tpu.memory_space<hbm>>) dst(%arg8 : memref<128xi32, #tpu.memory_space<vmem>>)
      %dma_wait3A_75 = arith.constant 0 : i32
      %dma_wait3A_76 = tpu.memref_slice %arg4[%add3A, %add3A_68, %dma_wait3A_75] : memref<32x80x128xi32, #tpu.memory_space<hbm>> -> memref<1x1x128xi32, #tpu.memory_space<hbm>>
      %dma_wait3A_77 = tpu.memref_squeeze %dma_wait3A_76 : memref<1x1x128xi32, #tpu.memory_space<hbm>> -> memref<128xi32, #tpu.memory_space<hbm>>
      %dma_wait3A_78 = arith.constant 0 : i32
      %dma_wait3A_79 = tpu.memref_slice %arg4[%add3A, %add3A_68, %dma_wait3A_78] : memref<32x80x128xi32, #tpu.memory_space<hbm>> -> memref<1x1x128xi32, #tpu.memory_space<hbm>>
      %dma_wait3A_80 = tpu.memref_squeeze %dma_wait3A_79 : memref<1x1x128xi32, #tpu.memory_space<hbm>> -> memref<128xi32, #tpu.memory_space<hbm>>
      tpu.wait_dma2 semaphore(%arg14 : memref<!tpu.dma_semaphore, #tpu.memory_space<semaphore_mem>>) src(%dma_wait3A_80 : memref<128xi32, #tpu.memory_space<hbm>>) dst(%arg10 : memref<128xi32, #tpu.memory_space<vmem>>)
      %dma_start3A_81 = arith.constant 0 : i32
      %dma_start3A_82 = arith.constant 0 : i32
      %dma_start3A_83 = tpu.memref_slice %arg2[%dma_start3A_81, %dma_start3A_82] : memref<10240x128xf32, #tpu.memory_space<hbm>> -> memref<10240x128xf32, #tpu.memory_space<hbm>>
      tpu.enqueue_indirect_dma source(%dma_start3A_83 : memref<10240x128xf32, #tpu.memory_space<hbm>>) target(%arg12 : memref<128x128xf32, #tpu.memory_space<vmem>>) offsets(%arg8 : memref<128xi32, #tpu.memory_space<vmem>>) semaphore(%arg16 : memref<!tpu.dma_semaphore, #tpu.memory_space<semaphore_mem>>)
      %dma_wait3A_84 = arith.constant 0 : i32
      %dma_wait3A_85 = arith.constant 0 : i32
      %dma_wait3A_86 = tpu.memref_slice %arg2[%dma_wait3A_84, %dma_wait3A_85] : memref<10240x128xf32, #tpu.memory_space<hbm>> -> memref<10240x128xf32, #tpu.memory_space<hbm>>
      tpu.wait_indirect_dma semaphore(%arg15 : memref<!tpu.dma_semaphore, #tpu.memory_space<semaphore_mem>>) src(%dma_wait3A_86 : memref<10240x128xf32, #tpu.memory_space<hbm>>) dst(%arg11 : memref<128x128xf32, #tpu.memory_space<vmem>>)
      %dma_start3A_87 = arith.constant 0 : i32
      %dma_start3A_88 = arith.constant 0 : i32
      %dma_start3A_89 = tpu.memref_slice %arg19[%dma_start3A_87, %dma_start3A_88] : memref<10240x128xf32, #tpu.memory_space<vmem_shared>> -> memref<10240x128xf32, #tpu.memory_space<vmem_shared>>
      tpu.enqueue_indirect_dma source(%arg11 : memref<128x128xf32, #tpu.memory_space<vmem>>) target(%dma_start3A_89 : memref<10240x128xf32, #tpu.memory_space<vmem_shared>>) offsets(%arg9 : memref<128xi32, #tpu.memory_space<vmem>>) semaphore(%arg17 : memref<!tpu.dma_semaphore, #tpu.memory_space<semaphore_mem>>) {add = true}
      %dma_wait3A_90 = arith.constant 0 : i32
      %dma_wait3A_91 = arith.constant 0 : i32
      %dma_wait3A_92 = tpu.memref_slice %arg2[%dma_wait3A_90, %dma_wait3A_91] : memref<10240x128xf32, #tpu.memory_space<hbm>> -> memref<10240x128xf32, #tpu.memory_space<hbm>>
      tpu.wait_indirect_dma semaphore(%arg16 : memref<!tpu.dma_semaphore, #tpu.memory_space<semaphore_mem>>) src(%dma_wait3A_92 : memref<10240x128xf32, #tpu.memory_space<hbm>>) dst(%arg12 : memref<128x128xf32, #tpu.memory_space<vmem>>)
      %dma_start3A_93 = arith.constant 0 : i32
      %dma_start3A_94 = arith.constant 0 : i32
      %dma_start3A_95 = tpu.memref_slice %arg19[%dma_start3A_93, %dma_start3A_94] : memref<10240x128xf32, #tpu.memory_space<vmem_shared>> -> memref<10240x128xf32, #tpu.memory_space<vmem_shared>>
      tpu.enqueue_indirect_dma source(%arg12 : memref<128x128xf32, #tpu.memory_space<vmem>>) target(%dma_start3A_95 : memref<10240x128xf32, #tpu.memory_space<vmem_shared>>) offsets(%arg10 : memref<128xi32, #tpu.memory_space<vmem>>) semaphore(%arg18 : memref<!tpu.dma_semaphore, #tpu.memory_space<semaphore_mem>>) {add = true}
      %add3A_96 = arith.constant 1 : i32
      %add3A_97 = arith.addi %scan3A_64, %add3A_96 : i32
      %lt3A = arith.constant 40 : i32
      %lt3A_98 = arith.cmpi slt, %add3A_97, %lt3A : i32
      %convert_element_type3A = arith.extui %lt3A_98 : i1 to i32
      %cond3A = arith.constant 0 : i32
      %cond3A_99 = arith.cmpi ne, %convert_element_type3A, %cond3A : i32
      scf.if %cond3A_99 {
        %dma_wait3A_100 = arith.constant 0 : i32
        %dma_wait3A_101 = arith.constant 0 : i32
        %dma_wait3A_102 = tpu.memref_slice %arg19[%dma_wait3A_100, %dma_wait3A_101] : memref<10240x128xf32, #tpu.memory_space<vmem_shared>> -> memref<10240x128xf32, #tpu.memory_space<vmem_shared>>
        tpu.wait_indirect_dma semaphore(%arg17 : memref<!tpu.dma_semaphore, #tpu.memory_space<semaphore_mem>>) src(%arg11 : memref<128x128xf32, #tpu.memory_space<vmem>>) dst(%dma_wait3A_102 : memref<10240x128xf32, #tpu.memory_space<vmem_shared>>)
        %add3A_103 = arith.constant 2 : i32
        %add3A_104 = arith.addi %mul3A_66, %add3A_103 : i32
        %dma_start3A_105 = arith.constant 0 : i32
        %dma_start3A_106 = tpu.memref_slice %arg3[%add3A, %add3A_104, %dma_start3A_105] : memref<32x80x128xi32, #tpu.memory_space<hbm>> -> memref<1x1x128xi32, #tpu.memory_space<hbm>>
        %dma_start3A_107 = tpu.memref_squeeze %dma_start3A_106 : memref<1x1x128xi32, #tpu.memory_space<hbm>> -> memref<128xi32, #tpu.memory_space<hbm>>
        %dma_start3A_108 = arith.constant 0 : i32
        %dma_start3A_109 = tpu.memref_slice %arg3[%add3A, %add3A_104, %dma_start3A_108] : memref<32x80x128xi32, #tpu.memory_space<hbm>> -> memref<1x1x128xi32, #tpu.memory_space<hbm>>
        %dma_start3A_110 = tpu.memref_squeeze %dma_start3A_109 : memref<1x1x128xi32, #tpu.memory_space<hbm>> -> memref<128xi32, #tpu.memory_space<hbm>>
        tpu.enqueue_dma source(%dma_start3A_110 : memref<128xi32, #tpu.memory_space<hbm>>) target(%arg7 : memref<128xi32, #tpu.memory_space<vmem>>) target_semaphore(%arg13 : memref<!tpu.dma_semaphore, #tpu.memory_space<semaphore_mem>>)
        %dma_start3A_111 = arith.constant 0 : i32
        %dma_start3A_112 = tpu.memref_slice %arg4[%add3A, %add3A_104, %dma_start3A_111] : memref<32x80x128xi32, #tpu.memory_space<hbm>> -> memref<1x1x128xi32, #tpu.memory_space<hbm>>
        %dma_start3A_113 = tpu.memref_squeeze %dma_start3A_112 : memref<1x1x128xi32, #tpu.memory_space<hbm>> -> memref<128xi32, #tpu.memory_space<hbm>>
        %dma_start3A_114 = arith.constant 0 : i32
        %dma_start3A_115 = tpu.memref_slice %arg4[%add3A, %add3A_104, %dma_start3A_114] : memref<32x80x128xi32, #tpu.memory_space<hbm>> -> memref<1x1x128xi32, #tpu.memory_space<hbm>>
        %dma_start3A_116 = tpu.memref_squeeze %dma_start3A_115 : memref<1x1x128xi32, #tpu.memory_space<hbm>> -> memref<128xi32, #tpu.memory_space<hbm>>
        tpu.enqueue_dma source(%dma_start3A_116 : memref<128xi32, #tpu.memory_space<hbm>>) target(%arg9 : memref<128xi32, #tpu.memory_space<vmem>>) target_semaphore(%arg13 : memref<!tpu.dma_semaphore, #tpu.memory_space<semaphore_mem>>)
        %add3A_117 = arith.constant 2 : i32
        %add3A_118 = arith.addi %mul3A_66, %add3A_117 : i32
        %dma_wait3A_119 = arith.constant 0 : i32
        %dma_wait3A_120 = tpu.memref_slice %arg3[%add3A, %add3A_118, %dma_wait3A_119] : memref<32x80x128xi32, #tpu.memory_space<hbm>> -> memref<1x1x128xi32, #tpu.memory_space<hbm>>
        %dma_wait3A_121 = tpu.memref_squeeze %dma_wait3A_120 : memref<1x1x128xi32, #tpu.memory_space<hbm>> -> memref<128xi32, #tpu.memory_space<hbm>>
        %dma_wait3A_122 = arith.constant 0 : i32
        %dma_wait3A_123 = tpu.memref_slice %arg3[%add3A, %add3A_118, %dma_wait3A_122] : memref<32x80x128xi32, #tpu.memory_space<hbm>> -> memref<1x1x128xi32, #tpu.memory_space<hbm>>
        %dma_wait3A_124 = tpu.memref_squeeze %dma_wait3A_123 : memref<1x1x128xi32, #tpu.memory_space<hbm>> -> memref<128xi32, #tpu.memory_space<hbm>>
        tpu.wait_dma2 semaphore(%arg13 : memref<!tpu.dma_semaphore, #tpu.memory_space<semaphore_mem>>) src(%dma_wait3A_124 : memref<128xi32, #tpu.memory_space<hbm>>) dst(%arg7 : memref<128xi32, #tpu.memory_space<vmem>>)
        %dma_wait3A_125 = arith.constant 0 : i32
        %dma_wait3A_126 = tpu.memref_slice %arg4[%add3A, %add3A_118, %dma_wait3A_125] : memref<32x80x128xi32, #tpu.memory_space<hbm>> -> memref<1x1x128xi32, #tpu.memory_space<hbm>>
        %dma_wait3A_127 = tpu.memref_squeeze %dma_wait3A_126 : memref<1x1x128xi32, #tpu.memory_space<hbm>> -> memref<128xi32, #tpu.memory_space<hbm>>
        %dma_wait3A_128 = arith.constant 0 : i32
        %dma_wait3A_129 = tpu.memref_slice %arg4[%add3A, %add3A_118, %dma_wait3A_128] : memref<32x80x128xi32, #tpu.memory_space<hbm>> -> memref<1x1x128xi32, #tpu.memory_space<hbm>>
        %dma_wait3A_130 = tpu.memref_squeeze %dma_wait3A_129 : memref<1x1x128xi32, #tpu.memory_space<hbm>> -> memref<128xi32, #tpu.memory_space<hbm>>
        tpu.wait_dma2 semaphore(%arg13 : memref<!tpu.dma_semaphore, #tpu.memory_space<semaphore_mem>>) src(%dma_wait3A_130 : memref<128xi32, #tpu.memory_space<hbm>>) dst(%arg9 : memref<128xi32, #tpu.memory_space<vmem>>)
        %dma_start3A_131 = arith.constant 0 : i32
        %dma_start3A_132 = arith.constant 0 : i32
        %dma_start3A_133 = tpu.memref_slice %arg2[%dma_start3A_131, %dma_start3A_132] : memref<10240x128xf32, #tpu.memory_space<hbm>> -> memref<10240x128xf32, #tpu.memory_space<hbm>>
        tpu.enqueue_indirect_dma source(%dma_start3A_133 : memref<10240x128xf32, #tpu.memory_space<hbm>>) target(%arg11 : memref<128x128xf32, #tpu.memory_space<vmem>>) offsets(%arg7 : memref<128xi32, #tpu.memory_space<vmem>>) semaphore(%arg15 : memref<!tpu.dma_semaphore, #tpu.memory_space<semaphore_mem>>)
        %dma_wait3A_134 = arith.constant 0 : i32
        %dma_wait3A_135 = arith.constant 0 : i32
        %dma_wait3A_136 = tpu.memref_slice %arg19[%dma_wait3A_134, %dma_wait3A_135] : memref<10240x128xf32, #tpu.memory_space<vmem_shared>> -> memref<10240x128xf32, #tpu.memory_space<vmem_shared>>
        tpu.wait_indirect_dma semaphore(%arg18 : memref<!tpu.dma_semaphore, #tpu.memory_space<semaphore_mem>>) src(%arg12 : memref<128x128xf32, #tpu.memory_space<vmem>>) dst(%dma_wait3A_136 : memref<10240x128xf32, #tpu.memory_space<vmem_shared>>)
        %add3A_137 = arith.constant 3 : i32
        %add3A_138 = arith.addi %mul3A_66, %add3A_137 : i32
        %dma_start3A_139 = arith.constant 0 : i32
        %dma_start3A_140 = tpu.memref_slice %arg3[%add3A, %add3A_138, %dma_start3A_139] : memref<32x80x128xi32, #tpu.memory_space<hbm>> -> memref<1x1x128xi32, #tpu.memory_space<hbm>>
        %dma_start3A_141 = tpu.memref_squeeze %dma_start3A_140 : memref<1x1x128xi32, #tpu.memory_space<hbm>> -> memref<128xi32, #tpu.memory_space<hbm>>
        %dma_start3A_142 = arith.constant 0 : i32
        %dma_start3A_143 = tpu.memref_slice %arg3[%add3A, %add3A_138, %dma_start3A_142] : memref<32x80x128xi32, #tpu.memory_space<hbm>> -> memref<1x1x128xi32, #tpu.memory_space<hbm>>
        %dma_start3A_144 = tpu.memref_squeeze %dma_start3A_143 : memref<1x1x128xi32, #tpu.memory_space<hbm>> -> memref<128xi32, #tpu.memory_space<hbm>>
        tpu.enqueue_dma source(%dma_start3A_144 : memref<128xi32, #tpu.memory_space<hbm>>) target(%arg8 : memref<128xi32, #tpu.memory_space<vmem>>) target_semaphore(%arg14 : memref<!tpu.dma_semaphore, #tpu.memory_space<semaphore_mem>>)
        %dma_start3A_145 = arith.constant 0 : i32
        %dma_start3A_146 = tpu.memref_slice %arg4[%add3A, %add3A_138, %dma_start3A_145] : memref<32x80x128xi32, #tpu.memory_space<hbm>> -> memref<1x1x128xi32, #tpu.memory_space<hbm>>
        %dma_start3A_147 = tpu.memref_squeeze %dma_start3A_146 : memref<1x1x128xi32, #tpu.memory_space<hbm>> -> memref<128xi32, #tpu.memory_space<hbm>>
        %dma_start3A_148 = arith.constant 0 : i32
        %dma_start3A_149 = tpu.memref_slice %arg4[%add3A, %add3A_138, %dma_start3A_148] : memref<32x80x128xi32, #tpu.memory_space<hbm>> -> memref<1x1x128xi32, #tpu.memory_space<hbm>>
        %dma_start3A_150 = tpu.memref_squeeze %dma_start3A_149 : memref<1x1x128xi32, #tpu.memory_space<hbm>> -> memref<128xi32, #tpu.memory_space<hbm>>
        tpu.enqueue_dma source(%dma_start3A_150 : memref<128xi32, #tpu.memory_space<hbm>>) target(%arg10 : memref<128xi32, #tpu.memory_space<vmem>>) target_semaphore(%arg14 : memref<!tpu.dma_semaphore, #tpu.memory_space<semaphore_mem>>)
      } else {
      }
    }
    %scan3A_52 = arith.constant 40 : i32
    %dma_wait3A_53 = arith.constant 0 : i32
    %dma_wait3A_54 = arith.constant 0 : i32
    %dma_wait3A_55 = tpu.memref_slice %arg19[%dma_wait3A_53, %dma_wait3A_54] : memref<10240x128xf32, #tpu.memory_space<vmem_shared>> -> memref<10240x128xf32, #tpu.memory_space<vmem_shared>>
    tpu.wait_indirect_dma semaphore(%arg17 : memref<!tpu.dma_semaphore, #tpu.memory_space<semaphore_mem>>) src(%arg11 : memref<128x128xf32, #tpu.memory_space<vmem>>) dst(%dma_wait3A_55 : memref<10240x128xf32, #tpu.memory_space<vmem_shared>>)
    %dma_wait3A_56 = arith.constant 0 : i32
    %dma_wait3A_57 = arith.constant 0 : i32
    %dma_wait3A_58 = tpu.memref_slice %arg19[%dma_wait3A_56, %dma_wait3A_57] : memref<10240x128xf32, #tpu.memory_space<vmem_shared>> -> memref<10240x128xf32, #tpu.memory_space<vmem_shared>>
    tpu.wait_indirect_dma semaphore(%arg18 : memref<!tpu.dma_semaphore, #tpu.memory_space<semaphore_mem>>) src(%arg12 : memref<128x128xf32, #tpu.memory_space<vmem>>) dst(%dma_wait3A_58 : memref<10240x128xf32, #tpu.memory_space<vmem_shared>>)
    %barrier3A_59 = arith.constant 0 : index
    tpu.barrier barrier_id(%barrier3A_59)
    %mul3A_60 = arith.constant 640 : i32
    %mul3A_61 = arith.muli %arg1, %mul3A_60 : i32
    %mul3A_62 = arith.constant 640 : i32
    %mul3A_63 = arith.muli %arg1, %mul3A_62 : i32
    "tpu.region"() ({
      %run_scoped3A = tpu.sem_alloc : memref<!tpu.dma_semaphore, #tpu.memory_space<semaphore_mem>>
      %dma_start3A_64 = arith.constant 0 : i32
      %dma_start3A_65 = tpu.memref_slice %arg6[%arg0, %mul3A_63, %dma_start3A_64] : memref<2x10240x128xf32, #tpu.memory_space<hbm>> -> memref<1x640x128xf32, #tpu.memory_space<hbm>>
      %dma_start3A_66 = tpu.memref_squeeze %dma_start3A_65 : memref<1x640x128xf32, #tpu.memory_space<hbm>> -> memref<640x128xf32, #tpu.memory_space<hbm>>
      %dma_start3A_67 = arith.constant 0 : i32
      %dma_start3A_68 = tpu.memref_slice %arg19[%mul3A_61, %dma_start3A_67] : memref<10240x128xf32, #tpu.memory_space<vmem_shared>> -> memref<640x128xf32, #tpu.memory_space<vmem_shared>>
      tpu.enqueue_dma source(%dma_start3A_68 : memref<640x128xf32, #tpu.memory_space<vmem_shared>>) target(%dma_start3A_66 : memref<640x128xf32, #tpu.memory_space<hbm>>) target_semaphore(%run_scoped3A : memref<!tpu.dma_semaphore, #tpu.memory_space<semaphore_mem>>)
      %dma_wait3A_69 = arith.constant 0 : i32
      %dma_wait3A_70 = tpu.memref_slice %arg6[%arg0, %mul3A_63, %dma_wait3A_69] : memref<2x10240x128xf32, #tpu.memory_space<hbm>> -> memref<1x640x128xf32, #tpu.memory_space<hbm>>
      %dma_wait3A_71 = tpu.memref_squeeze %dma_wait3A_70 : memref<1x640x128xf32, #tpu.memory_space<hbm>> -> memref<640x128xf32, #tpu.memory_space<hbm>>
      %dma_wait3A_72 = arith.constant 0 : i32
      %dma_wait3A_73 = tpu.memref_slice %arg19[%mul3A_61, %dma_wait3A_72] : memref<10240x128xf32, #tpu.memory_space<vmem_shared>> -> memref<640x128xf32, #tpu.memory_space<vmem_shared>>
      tpu.wait_dma2 semaphore(%run_scoped3A : memref<!tpu.dma_semaphore, #tpu.memory_space<semaphore_mem>>) src(%dma_wait3A_73 : memref<640x128xf32, #tpu.memory_space<vmem_shared>>) dst(%dma_wait3A_71 : memref<640x128xf32, #tpu.memory_space<hbm>>)
      tpu.yield
    }) : () -> ()
    return
  }
}

#map = affine_map<(d0, d1) -> (0, 0)>
#map1 = affine_map<(d0, d1) -> (0, 0, 0)>
module attributes {stable_mosaic.version = 14 : i64} {
  func.func @_agg_body(%arg0: i32, %arg1: i32, %arg2: memref<10240x128xf32, #tpu.memory_space<hbm>>, %arg3: memref<32x80x128xi32, #tpu.memory_space<hbm>>, %arg4: memref<32x80x128xi32, #tpu.memory_space<hbm>>, %arg5: memref<10240x128xf32, #tpu.memory_space<hbm>>, %arg6: memref<2x10240x128xf32, #tpu.memory_space<hbm>>, %arg7: memref<128xi32, #tpu.memory_space<vmem>>, %arg8: memref<128xi32, #tpu.memory_space<vmem>>, %arg9: memref<128xi32, #tpu.memory_space<vmem>>, %arg10: memref<128xi32, #tpu.memory_space<vmem>>, %arg11: memref<128x128xf32, #tpu.memory_space<vmem>>, %arg12: memref<128x128xf32, #tpu.memory_space<vmem>>, %arg13: memref<!tpu.dma_semaphore, #tpu.memory_space<semaphore_mem>>, %arg14: memref<!tpu.dma_semaphore, #tpu.memory_space<semaphore_mem>>, %arg15: memref<!tpu.dma_semaphore, #tpu.memory_space<semaphore_mem>>, %arg16: memref<!tpu.dma_semaphore, #tpu.memory_space<semaphore_mem>>, %arg17: memref<!tpu.dma_semaphore, #tpu.memory_space<semaphore_mem>>, %arg18: memref<!tpu.dma_semaphore, #tpu.memory_space<semaphore_mem>>, %arg19: memref<10240x128xf32, #tpu.memory_space<vmem_shared>>) attributes {dimension_semantics = [#tpu.dimension_semantics<core_parallel>, #tpu.dimension_semantics<subcore_parallel>], iteration_bounds = array<i64: 2, 16>, scalar_prefetch = 0 : i64, scratch_operands = 13 : i64, tpu.core_type = #tpu.core_type<sc_vector_subcore>, window_params = [{transform_indices = #map}, {transform_indices = #map1}, {transform_indices = #map1}, {transform_indices = #map}, {transform_indices = #map1}]} {
    %mul3A = arith.constant 2 : i32
    %mul3A_0 = arith.muli %arg1, %mul3A : i32
    %add3A = arith.addi %mul3A_0, %arg0 : i32
    %dma_start3A = arith.constant 0 : i32
    %dma_start3A_1 = arith.constant 0 : i32
    %dma_start3A_2 = tpu.memref_slice %arg3[%add3A, %dma_start3A, %dma_start3A_1] : memref<32x80x128xi32, #tpu.memory_space<hbm>> -> memref<1x1x128xi32, #tpu.memory_space<hbm>>
    %dma_start3A_3 = tpu.memref_squeeze %dma_start3A_2 : memref<1x1x128xi32, #tpu.memory_space<hbm>> -> memref<128xi32, #tpu.memory_space<hbm>>
    %dma_start3A_4 = arith.constant 0 : i32
    %dma_start3A_5 = tpu.memref_slice %arg3[%add3A, %dma_start3A, %dma_start3A_4] : memref<32x80x128xi32, #tpu.memory_space<hbm>> -> memref<1x1x128xi32, #tpu.memory_space<hbm>>
    %dma_start3A_6 = tpu.memref_squeeze %dma_start3A_5 : memref<1x1x128xi32, #tpu.memory_space<hbm>> -> memref<128xi32, #tpu.memory_space<hbm>>
    tpu.enqueue_dma source(%dma_start3A_6 : memref<128xi32, #tpu.memory_space<hbm>>) target(%arg7 : memref<128xi32, #tpu.memory_space<vmem>>) target_semaphore(%arg13 : memref<!tpu.dma_semaphore, #tpu.memory_space<semaphore_mem>>)
    %dma_start3A_7 = arith.constant 0 : i32
    %dma_start3A_8 = arith.constant 0 : i32
    %dma_start3A_9 = tpu.memref_slice %arg4[%add3A, %dma_start3A_7, %dma_start3A_8] : memref<32x80x128xi32, #tpu.memory_space<hbm>> -> memref<1x1x128xi32, #tpu.memory_space<hbm>>
    %dma_start3A_10 = tpu.memref_squeeze %dma_start3A_9 : memref<1x1x128xi32, #tpu.memory_space<hbm>> -> memref<128xi32, #tpu.memory_space<hbm>>
    %dma_start3A_11 = arith.constant 0 : i32
    %dma_start3A_12 = tpu.memref_slice %arg4[%add3A, %dma_start3A_7, %dma_start3A_11] : memref<32x80x128xi32, #tpu.memory_space<hbm>> -> memref<1x1x128xi32, #tpu.memory_space<hbm>>
    %dma_start3A_13 = tpu.memref_squeeze %dma_start3A_12 : memref<1x1x128xi32, #tpu.memory_space<hbm>> -> memref<128xi32, #tpu.memory_space<hbm>>
    tpu.enqueue_dma source(%dma_start3A_13 : memref<128xi32, #tpu.memory_space<hbm>>) target(%arg9 : memref<128xi32, #tpu.memory_space<vmem>>) target_semaphore(%arg13 : memref<!tpu.dma_semaphore, #tpu.memory_space<semaphore_mem>>)
    %dma_start3A_14 = arith.constant 1 : i32
    %dma_start3A_15 = arith.constant 0 : i32
    %dma_start3A_16 = tpu.memref_slice %arg3[%add3A, %dma_start3A_14, %dma_start3A_15] : memref<32x80x128xi32, #tpu.memory_space<hbm>> -> memref<1x1x128xi32, #tpu.memory_space<hbm>>
    %dma_start3A_17 = tpu.memref_squeeze %dma_start3A_16 : memref<1x1x128xi32, #tpu.memory_space<hbm>> -> memref<128xi32, #tpu.memory_space<hbm>>
    %dma_start3A_18 = arith.constant 0 : i32
    %dma_start3A_19 = tpu.memref_slice %arg3[%add3A, %dma_start3A_14, %dma_start3A_18] : memref<32x80x128xi32, #tpu.memory_space<hbm>> -> memref<1x1x128xi32, #tpu.memory_space<hbm>>
    %dma_start3A_20 = tpu.memref_squeeze %dma_start3A_19 : memref<1x1x128xi32, #tpu.memory_space<hbm>> -> memref<128xi32, #tpu.memory_space<hbm>>
    tpu.enqueue_dma source(%dma_start3A_20 : memref<128xi32, #tpu.memory_space<hbm>>) target(%arg8 : memref<128xi32, #tpu.memory_space<vmem>>) target_semaphore(%arg14 : memref<!tpu.dma_semaphore, #tpu.memory_space<semaphore_mem>>)
    %dma_start3A_21 = arith.constant 1 : i32
    %dma_start3A_22 = arith.constant 0 : i32
    %dma_start3A_23 = tpu.memref_slice %arg4[%add3A, %dma_start3A_21, %dma_start3A_22] : memref<32x80x128xi32, #tpu.memory_space<hbm>> -> memref<1x1x128xi32, #tpu.memory_space<hbm>>
    %dma_start3A_24 = tpu.memref_squeeze %dma_start3A_23 : memref<1x1x128xi32, #tpu.memory_space<hbm>> -> memref<128xi32, #tpu.memory_space<hbm>>
    %dma_start3A_25 = arith.constant 0 : i32
    %dma_start3A_26 = tpu.memref_slice %arg4[%add3A, %dma_start3A_21, %dma_start3A_25] : memref<32x80x128xi32, #tpu.memory_space<hbm>> -> memref<1x1x128xi32, #tpu.memory_space<hbm>>
    %dma_start3A_27 = tpu.memref_squeeze %dma_start3A_26 : memref<1x1x128xi32, #tpu.memory_space<hbm>> -> memref<128xi32, #tpu.memory_space<hbm>>
    tpu.enqueue_dma source(%dma_start3A_27 : memref<128xi32, #tpu.memory_space<hbm>>) target(%arg10 : memref<128xi32, #tpu.memory_space<vmem>>) target_semaphore(%arg14 : memref<!tpu.dma_semaphore, #tpu.memory_space<semaphore_mem>>)
    %dma_wait3A = arith.constant 0 : i32
    %dma_wait3A_28 = arith.constant 0 : i32
    %dma_wait3A_29 = tpu.memref_slice %arg3[%add3A, %dma_wait3A, %dma_wait3A_28] : memref<32x80x128xi32, #tpu.memory_space<hbm>> -> memref<1x1x128xi32, #tpu.memory_space<hbm>>
    %dma_wait3A_30 = tpu.memref_squeeze %dma_wait3A_29 : memref<1x1x128xi32, #tpu.memory_space<hbm>> -> memref<128xi32, #tpu.memory_space<hbm>>
    %dma_wait3A_31 = arith.constant 0 : i32
    %dma_wait3A_32 = tpu.memref_slice %arg3[%add3A, %dma_wait3A, %dma_wait3A_31] : memref<32x80x128xi32, #tpu.memory_space<hbm>> -> memref<1x1x128xi32, #tpu.memory_space<hbm>>
    %dma_wait3A_33 = tpu.memref_squeeze %dma_wait3A_32 : memref<1x1x128xi32, #tpu.memory_space<hbm>> -> memref<128xi32, #tpu.memory_space<hbm>>
    tpu.wait_dma2 semaphore(%arg13 : memref<!tpu.dma_semaphore, #tpu.memory_space<semaphore_mem>>) src(%dma_wait3A_33 : memref<128xi32, #tpu.memory_space<hbm>>) dst(%arg7 : memref<128xi32, #tpu.memory_space<vmem>>)
    %dma_wait3A_34 = arith.constant 0 : i32
    %dma_wait3A_35 = arith.constant 0 : i32
    %dma_wait3A_36 = tpu.memref_slice %arg4[%add3A, %dma_wait3A_34, %dma_wait3A_35] : memref<32x80x128xi32, #tpu.memory_space<hbm>> -> memref<1x1x128xi32, #tpu.memory_space<hbm>>
    %dma_wait3A_37 = tpu.memref_squeeze %dma_wait3A_36 : memref<1x1x128xi32, #tpu.memory_space<hbm>> -> memref<128xi32, #tpu.memory_space<hbm>>
    %dma_wait3A_38 = arith.constant 0 : i32
    %dma_wait3A_39 = tpu.memref_slice %arg4[%add3A, %dma_wait3A_34, %dma_wait3A_38] : memref<32x80x128xi32, #tpu.memory_space<hbm>> -> memref<1x1x128xi32, #tpu.memory_space<hbm>>
    %dma_wait3A_40 = tpu.memref_squeeze %dma_wait3A_39 : memref<1x1x128xi32, #tpu.memory_space<hbm>> -> memref<128xi32, #tpu.memory_space<hbm>>
    tpu.wait_dma2 semaphore(%arg13 : memref<!tpu.dma_semaphore, #tpu.memory_space<semaphore_mem>>) src(%dma_wait3A_40 : memref<128xi32, #tpu.memory_space<hbm>>) dst(%arg9 : memref<128xi32, #tpu.memory_space<vmem>>)
    %dma_start3A_41 = arith.constant 0 : i32
    %dma_start3A_42 = arith.constant 0 : i32
    %dma_start3A_43 = tpu.memref_slice %arg2[%dma_start3A_41, %dma_start3A_42] : memref<10240x128xf32, #tpu.memory_space<hbm>> -> memref<10240x128xf32, #tpu.memory_space<hbm>>
    tpu.enqueue_indirect_dma source(%dma_start3A_43 : memref<10240x128xf32, #tpu.memory_space<hbm>>) target(%arg11 : memref<128x128xf32, #tpu.memory_space<vmem>>) offsets(%arg7 : memref<128xi32, #tpu.memory_space<vmem>>) semaphore(%arg15 : memref<!tpu.dma_semaphore, #tpu.memory_space<semaphore_mem>>)
    %mul3A_44 = arith.constant 640 : i32
    %mul3A_45 = arith.muli %arg1, %mul3A_44 : i32
    %mul3A_46 = arith.constant 640 : i32
    %mul3A_47 = arith.muli %arg1, %mul3A_46 : i32
    "tpu.region"() ({
      %run_scoped3A = tpu.sem_alloc : memref<!tpu.dma_semaphore, #tpu.memory_space<semaphore_mem>>
      %dma_start3A_64 = arith.constant 0 : i32
      %dma_start3A_65 = tpu.memref_slice %arg19[%mul3A_47, %dma_start3A_64] : memref<10240x128xf32, #tpu.memory_space<vmem_shared>> -> memref<640x128xf32, #tpu.memory_space<vmem_shared>>
      %dma_start3A_66 = arith.constant 0 : i32
      %dma_start3A_67 = tpu.memref_slice %arg5[%mul3A_45, %dma_start3A_66] : memref<10240x128xf32, #tpu.memory_space<hbm>> -> memref<640x128xf32, #tpu.memory_space<hbm>>
      tpu.enqueue_dma source(%dma_start3A_67 : memref<640x128xf32, #tpu.memory_space<hbm>>) target(%dma_start3A_65 : memref<640x128xf32, #tpu.memory_space<vmem_shared>>) target_semaphore(%run_scoped3A : memref<!tpu.dma_semaphore, #tpu.memory_space<semaphore_mem>>)
      %dma_wait3A_68 = arith.constant 0 : i32
      %dma_wait3A_69 = tpu.memref_slice %arg19[%mul3A_47, %dma_wait3A_68] : memref<10240x128xf32, #tpu.memory_space<vmem_shared>> -> memref<640x128xf32, #tpu.memory_space<vmem_shared>>
      %dma_wait3A_70 = arith.constant 0 : i32
      %dma_wait3A_71 = tpu.memref_slice %arg5[%mul3A_45, %dma_wait3A_70] : memref<10240x128xf32, #tpu.memory_space<hbm>> -> memref<640x128xf32, #tpu.memory_space<hbm>>
      tpu.wait_dma2 semaphore(%run_scoped3A : memref<!tpu.dma_semaphore, #tpu.memory_space<semaphore_mem>>) src(%dma_wait3A_71 : memref<640x128xf32, #tpu.memory_space<hbm>>) dst(%dma_wait3A_69 : memref<640x128xf32, #tpu.memory_space<vmem_shared>>)
      tpu.yield
    }) : () -> ()
    %barrier3A = arith.constant 0 : index
    tpu.barrier barrier_id(%barrier3A)
    %scan3A = arith.constant 0 : i32
    %scan3A_48 = arith.constant 0 : i32
    %scan3A_49 = arith.constant 40 : i32
    %scan3A_50 = arith.addi %scan3A_48, %scan3A_49 : i32
    %scan3A_51 = arith.constant 1 : i32
    scf.for %scan3A_64 = %scan3A_48 to %scan3A_50 step %scan3A_51  : i32 {
      %mul3A_65 = arith.constant 2 : i32
      %mul3A_66 = arith.muli %mul3A_65, %scan3A_64 : i32
      %add3A_67 = arith.constant 1 : i32
      %add3A_68 = arith.addi %mul3A_66, %add3A_67 : i32
      %dma_wait3A_69 = arith.constant 0 : i32
      %dma_wait3A_70 = tpu.memref_slice %arg3[%add3A, %add3A_68, %dma_wait3A_69] : memref<32x80x128xi32, #tpu.memory_space<hbm>> -> memref<1x1x128xi32, #tpu.memory_space<hbm>>
      %dma_wait3A_71 = tpu.memref_squeeze %dma_wait3A_70 : memref<1x1x128xi32, #tpu.memory_space<hbm>> -> memref<128xi32, #tpu.memory_space<hbm>>
      %dma_wait3A_72 = arith.constant 0 : i32
      %dma_wait3A_73 = tpu.memref_slice %arg3[%add3A, %add3A_68, %dma_wait3A_72] : memref<32x80x128xi32, #tpu.memory_space<hbm>> -> memref<1x1x128xi32, #tpu.memory_space<hbm>>
      %dma_wait3A_74 = tpu.memref_squeeze %dma_wait3A_73 : memref<1x1x128xi32, #tpu.memory_space<hbm>> -> memref<128xi32, #tpu.memory_space<hbm>>
      tpu.wait_dma2 semaphore(%arg14 : memref<!tpu.dma_semaphore, #tpu.memory_space<semaphore_mem>>) src(%dma_wait3A_74 : memref<128xi32, #tpu.memory_space<hbm>>) dst(%arg8 : memref<128xi32, #tpu.memory_space<vmem>>)
      %dma_wait3A_75 = arith.constant 0 : i32
      %dma_wait3A_76 = tpu.memref_slice %arg4[%add3A, %add3A_68, %dma_wait3A_75] : memref<32x80x128xi32, #tpu.memory_space<hbm>> -> memref<1x1x128xi32, #tpu.memory_space<hbm>>
      %dma_wait3A_77 = tpu.memref_squeeze %dma_wait3A_76 : memref<1x1x128xi32, #tpu.memory_space<hbm>> -> memref<128xi32, #tpu.memory_space<hbm>>
      %dma_wait3A_78 = arith.constant 0 : i32
      %dma_wait3A_79 = tpu.memref_slice %arg4[%add3A, %add3A_68, %dma_wait3A_78] : memref<32x80x128xi32, #tpu.memory_space<hbm>> -> memref<1x1x128xi32, #tpu.memory_space<hbm>>
      %dma_wait3A_80 = tpu.memref_squeeze %dma_wait3A_79 : memref<1x1x128xi32, #tpu.memory_space<hbm>> -> memref<128xi32, #tpu.memory_space<hbm>>
      tpu.wait_dma2 semaphore(%arg14 : memref<!tpu.dma_semaphore, #tpu.memory_space<semaphore_mem>>) src(%dma_wait3A_80 : memref<128xi32, #tpu.memory_space<hbm>>) dst(%arg10 : memref<128xi32, #tpu.memory_space<vmem>>)
      %dma_start3A_81 = arith.constant 0 : i32
      %dma_start3A_82 = arith.constant 0 : i32
      %dma_start3A_83 = tpu.memref_slice %arg2[%dma_start3A_81, %dma_start3A_82] : memref<10240x128xf32, #tpu.memory_space<hbm>> -> memref<10240x128xf32, #tpu.memory_space<hbm>>
      tpu.enqueue_indirect_dma source(%dma_start3A_83 : memref<10240x128xf32, #tpu.memory_space<hbm>>) target(%arg12 : memref<128x128xf32, #tpu.memory_space<vmem>>) offsets(%arg8 : memref<128xi32, #tpu.memory_space<vmem>>) semaphore(%arg16 : memref<!tpu.dma_semaphore, #tpu.memory_space<semaphore_mem>>)
      %dma_wait3A_84 = arith.constant 0 : i32
      %dma_wait3A_85 = arith.constant 0 : i32
      %dma_wait3A_86 = tpu.memref_slice %arg2[%dma_wait3A_84, %dma_wait3A_85] : memref<10240x128xf32, #tpu.memory_space<hbm>> -> memref<10240x128xf32, #tpu.memory_space<hbm>>
      tpu.wait_indirect_dma semaphore(%arg15 : memref<!tpu.dma_semaphore, #tpu.memory_space<semaphore_mem>>) src(%dma_wait3A_86 : memref<10240x128xf32, #tpu.memory_space<hbm>>) dst(%arg11 : memref<128x128xf32, #tpu.memory_space<vmem>>)
      %dma_start3A_87 = arith.constant 0 : i32
      %dma_start3A_88 = arith.constant 0 : i32
      %dma_start3A_89 = tpu.memref_slice %arg19[%dma_start3A_87, %dma_start3A_88] : memref<10240x128xf32, #tpu.memory_space<vmem_shared>> -> memref<10240x128xf32, #tpu.memory_space<vmem_shared>>
      tpu.enqueue_indirect_dma source(%arg11 : memref<128x128xf32, #tpu.memory_space<vmem>>) target(%dma_start3A_89 : memref<10240x128xf32, #tpu.memory_space<vmem_shared>>) offsets(%arg9 : memref<128xi32, #tpu.memory_space<vmem>>) semaphore(%arg17 : memref<!tpu.dma_semaphore, #tpu.memory_space<semaphore_mem>>) {add = true}
      %dma_wait3A_90 = arith.constant 0 : i32
      %dma_wait3A_91 = arith.constant 0 : i32
      %dma_wait3A_92 = tpu.memref_slice %arg2[%dma_wait3A_90, %dma_wait3A_91] : memref<10240x128xf32, #tpu.memory_space<hbm>> -> memref<10240x128xf32, #tpu.memory_space<hbm>>
      tpu.wait_indirect_dma semaphore(%arg16 : memref<!tpu.dma_semaphore, #tpu.memory_space<semaphore_mem>>) src(%dma_wait3A_92 : memref<10240x128xf32, #tpu.memory_space<hbm>>) dst(%arg12 : memref<128x128xf32, #tpu.memory_space<vmem>>)
      %dma_start3A_93 = arith.constant 0 : i32
      %dma_start3A_94 = arith.constant 0 : i32
      %dma_start3A_95 = tpu.memref_slice %arg19[%dma_start3A_93, %dma_start3A_94] : memref<10240x128xf32, #tpu.memory_space<vmem_shared>> -> memref<10240x128xf32, #tpu.memory_space<vmem_shared>>
      tpu.enqueue_indirect_dma source(%arg12 : memref<128x128xf32, #tpu.memory_space<vmem>>) target(%dma_start3A_95 : memref<10240x128xf32, #tpu.memory_space<vmem_shared>>) offsets(%arg10 : memref<128xi32, #tpu.memory_space<vmem>>) semaphore(%arg18 : memref<!tpu.dma_semaphore, #tpu.memory_space<semaphore_mem>>) {add = true}
      %add3A_96 = arith.constant 1 : i32
      %add3A_97 = arith.addi %scan3A_64, %add3A_96 : i32
      %lt3A = arith.constant 40 : i32
      %lt3A_98 = arith.cmpi slt, %add3A_97, %lt3A : i32
      %convert_element_type3A = arith.extui %lt3A_98 : i1 to i32
      %cond3A = arith.constant 0 : i32
      %cond3A_99 = arith.cmpi ne, %convert_element_type3A, %cond3A : i32
      scf.if %cond3A_99 {
        %dma_wait3A_100 = arith.constant 0 : i32
        %dma_wait3A_101 = arith.constant 0 : i32
        %dma_wait3A_102 = tpu.memref_slice %arg19[%dma_wait3A_100, %dma_wait3A_101] : memref<10240x128xf32, #tpu.memory_space<vmem_shared>> -> memref<10240x128xf32, #tpu.memory_space<vmem_shared>>
        tpu.wait_indirect_dma semaphore(%arg17 : memref<!tpu.dma_semaphore, #tpu.memory_space<semaphore_mem>>) src(%arg11 : memref<128x128xf32, #tpu.memory_space<vmem>>) dst(%dma_wait3A_102 : memref<10240x128xf32, #tpu.memory_space<vmem_shared>>)
        %add3A_103 = arith.constant 2 : i32
        %add3A_104 = arith.addi %mul3A_66, %add3A_103 : i32
        %dma_start3A_105 = arith.constant 0 : i32
        %dma_start3A_106 = tpu.memref_slice %arg3[%add3A, %add3A_104, %dma_start3A_105] : memref<32x80x128xi32, #tpu.memory_space<hbm>> -> memref<1x1x128xi32, #tpu.memory_space<hbm>>
        %dma_start3A_107 = tpu.memref_squeeze %dma_start3A_106 : memref<1x1x128xi32, #tpu.memory_space<hbm>> -> memref<128xi32, #tpu.memory_space<hbm>>
        %dma_start3A_108 = arith.constant 0 : i32
        %dma_start3A_109 = tpu.memref_slice %arg3[%add3A, %add3A_104, %dma_start3A_108] : memref<32x80x128xi32, #tpu.memory_space<hbm>> -> memref<1x1x128xi32, #tpu.memory_space<hbm>>
        %dma_start3A_110 = tpu.memref_squeeze %dma_start3A_109 : memref<1x1x128xi32, #tpu.memory_space<hbm>> -> memref<128xi32, #tpu.memory_space<hbm>>
        tpu.enqueue_dma source(%dma_start3A_110 : memref<128xi32, #tpu.memory_space<hbm>>) target(%arg7 : memref<128xi32, #tpu.memory_space<vmem>>) target_semaphore(%arg13 : memref<!tpu.dma_semaphore, #tpu.memory_space<semaphore_mem>>)
        %dma_start3A_111 = arith.constant 0 : i32
        %dma_start3A_112 = tpu.memref_slice %arg4[%add3A, %add3A_104, %dma_start3A_111] : memref<32x80x128xi32, #tpu.memory_space<hbm>> -> memref<1x1x128xi32, #tpu.memory_space<hbm>>
        %dma_start3A_113 = tpu.memref_squeeze %dma_start3A_112 : memref<1x1x128xi32, #tpu.memory_space<hbm>> -> memref<128xi32, #tpu.memory_space<hbm>>
        %dma_start3A_114 = arith.constant 0 : i32
        %dma_start3A_115 = tpu.memref_slice %arg4[%add3A, %add3A_104, %dma_start3A_114] : memref<32x80x128xi32, #tpu.memory_space<hbm>> -> memref<1x1x128xi32, #tpu.memory_space<hbm>>
        %dma_start3A_116 = tpu.memref_squeeze %dma_start3A_115 : memref<1x1x128xi32, #tpu.memory_space<hbm>> -> memref<128xi32, #tpu.memory_space<hbm>>
        tpu.enqueue_dma source(%dma_start3A_116 : memref<128xi32, #tpu.memory_space<hbm>>) target(%arg9 : memref<128xi32, #tpu.memory_space<vmem>>) target_semaphore(%arg13 : memref<!tpu.dma_semaphore, #tpu.memory_space<semaphore_mem>>)
        %add3A_117 = arith.constant 2 : i32
        %add3A_118 = arith.addi %mul3A_66, %add3A_117 : i32
        %dma_wait3A_119 = arith.constant 0 : i32
        %dma_wait3A_120 = tpu.memref_slice %arg3[%add3A, %add3A_118, %dma_wait3A_119] : memref<32x80x128xi32, #tpu.memory_space<hbm>> -> memref<1x1x128xi32, #tpu.memory_space<hbm>>
        %dma_wait3A_121 = tpu.memref_squeeze %dma_wait3A_120 : memref<1x1x128xi32, #tpu.memory_space<hbm>> -> memref<128xi32, #tpu.memory_space<hbm>>
        %dma_wait3A_122 = arith.constant 0 : i32
        %dma_wait3A_123 = tpu.memref_slice %arg3[%add3A, %add3A_118, %dma_wait3A_122] : memref<32x80x128xi32, #tpu.memory_space<hbm>> -> memref<1x1x128xi32, #tpu.memory_space<hbm>>
        %dma_wait3A_124 = tpu.memref_squeeze %dma_wait3A_123 : memref<1x1x128xi32, #tpu.memory_space<hbm>> -> memref<128xi32, #tpu.memory_space<hbm>>
        tpu.wait_dma2 semaphore(%arg13 : memref<!tpu.dma_semaphore, #tpu.memory_space<semaphore_mem>>) src(%dma_wait3A_124 : memref<128xi32, #tpu.memory_space<hbm>>) dst(%arg7 : memref<128xi32, #tpu.memory_space<vmem>>)
        %dma_wait3A_125 = arith.constant 0 : i32
        %dma_wait3A_126 = tpu.memref_slice %arg4[%add3A, %add3A_118, %dma_wait3A_125] : memref<32x80x128xi32, #tpu.memory_space<hbm>> -> memref<1x1x128xi32, #tpu.memory_space<hbm>>
        %dma_wait3A_127 = tpu.memref_squeeze %dma_wait3A_126 : memref<1x1x128xi32, #tpu.memory_space<hbm>> -> memref<128xi32, #tpu.memory_space<hbm>>
        %dma_wait3A_128 = arith.constant 0 : i32
        %dma_wait3A_129 = tpu.memref_slice %arg4[%add3A, %add3A_118, %dma_wait3A_128] : memref<32x80x128xi32, #tpu.memory_space<hbm>> -> memref<1x1x128xi32, #tpu.memory_space<hbm>>
        %dma_wait3A_130 = tpu.memref_squeeze %dma_wait3A_129 : memref<1x1x128xi32, #tpu.memory_space<hbm>> -> memref<128xi32, #tpu.memory_space<hbm>>
        tpu.wait_dma2 semaphore(%arg13 : memref<!tpu.dma_semaphore, #tpu.memory_space<semaphore_mem>>) src(%dma_wait3A_130 : memref<128xi32, #tpu.memory_space<hbm>>) dst(%arg9 : memref<128xi32, #tpu.memory_space<vmem>>)
        %dma_start3A_131 = arith.constant 0 : i32
        %dma_start3A_132 = arith.constant 0 : i32
        %dma_start3A_133 = tpu.memref_slice %arg2[%dma_start3A_131, %dma_start3A_132] : memref<10240x128xf32, #tpu.memory_space<hbm>> -> memref<10240x128xf32, #tpu.memory_space<hbm>>
        tpu.enqueue_indirect_dma source(%dma_start3A_133 : memref<10240x128xf32, #tpu.memory_space<hbm>>) target(%arg11 : memref<128x128xf32, #tpu.memory_space<vmem>>) offsets(%arg7 : memref<128xi32, #tpu.memory_space<vmem>>) semaphore(%arg15 : memref<!tpu.dma_semaphore, #tpu.memory_space<semaphore_mem>>)
        %dma_wait3A_134 = arith.constant 0 : i32
        %dma_wait3A_135 = arith.constant 0 : i32
        %dma_wait3A_136 = tpu.memref_slice %arg19[%dma_wait3A_134, %dma_wait3A_135] : memref<10240x128xf32, #tpu.memory_space<vmem_shared>> -> memref<10240x128xf32, #tpu.memory_space<vmem_shared>>
        tpu.wait_indirect_dma semaphore(%arg18 : memref<!tpu.dma_semaphore, #tpu.memory_space<semaphore_mem>>) src(%arg12 : memref<128x128xf32, #tpu.memory_space<vmem>>) dst(%dma_wait3A_136 : memref<10240x128xf32, #tpu.memory_space<vmem_shared>>)
        %add3A_137 = arith.constant 3 : i32
        %add3A_138 = arith.addi %mul3A_66, %add3A_137 : i32
        %dma_start3A_139 = arith.constant 0 : i32
        %dma_start3A_140 = tpu.memref_slice %arg3[%add3A, %add3A_138, %dma_start3A_139] : memref<32x80x128xi32, #tpu.memory_space<hbm>> -> memref<1x1x128xi32, #tpu.memory_space<hbm>>
        %dma_start3A_141 = tpu.memref_squeeze %dma_start3A_140 : memref<1x1x128xi32, #tpu.memory_space<hbm>> -> memref<128xi32, #tpu.memory_space<hbm>>
        %dma_start3A_142 = arith.constant 0 : i32
        %dma_start3A_143 = tpu.memref_slice %arg3[%add3A, %add3A_138, %dma_start3A_142] : memref<32x80x128xi32, #tpu.memory_space<hbm>> -> memref<1x1x128xi32, #tpu.memory_space<hbm>>
        %dma_start3A_144 = tpu.memref_squeeze %dma_start3A_143 : memref<1x1x128xi32, #tpu.memory_space<hbm>> -> memref<128xi32, #tpu.memory_space<hbm>>
        tpu.enqueue_dma source(%dma_start3A_144 : memref<128xi32, #tpu.memory_space<hbm>>) target(%arg8 : memref<128xi32, #tpu.memory_space<vmem>>) target_semaphore(%arg14 : memref<!tpu.dma_semaphore, #tpu.memory_space<semaphore_mem>>)
        %dma_start3A_145 = arith.constant 0 : i32
        %dma_start3A_146 = tpu.memref_slice %arg4[%add3A, %add3A_138, %dma_start3A_145] : memref<32x80x128xi32, #tpu.memory_space<hbm>> -> memref<1x1x128xi32, #tpu.memory_space<hbm>>
        %dma_start3A_147 = tpu.memref_squeeze %dma_start3A_146 : memref<1x1x128xi32, #tpu.memory_space<hbm>> -> memref<128xi32, #tpu.memory_space<hbm>>
        %dma_start3A_148 = arith.constant 0 : i32
        %dma_start3A_149 = tpu.memref_slice %arg4[%add3A, %add3A_138, %dma_start3A_148] : memref<32x80x128xi32, #tpu.memory_space<hbm>> -> memref<1x1x128xi32, #tpu.memory_space<hbm>>
        %dma_start3A_150 = tpu.memref_squeeze %dma_start3A_149 : memref<1x1x128xi32, #tpu.memory_space<hbm>> -> memref<128xi32, #tpu.memory_space<hbm>>
        tpu.enqueue_dma source(%dma_start3A_150 : memref<128xi32, #tpu.memory_space<hbm>>) target(%arg10 : memref<128xi32, #tpu.memory_space<vmem>>) target_semaphore(%arg14 : memref<!tpu.dma_semaphore, #tpu.memory_space<semaphore_mem>>)
      } else {
      }
    }
    %scan3A_52 = arith.constant 40 : i32
    %dma_wait3A_53 = arith.constant 0 : i32
    %dma_wait3A_54 = arith.constant 0 : i32
    %dma_wait3A_55 = tpu.memref_slice %arg19[%dma_wait3A_53, %dma_wait3A_54] : memref<10240x128xf32, #tpu.memory_space<vmem_shared>> -> memref<10240x128xf32, #tpu.memory_space<vmem_shared>>
    tpu.wait_indirect_dma semaphore(%arg17 : memref<!tpu.dma_semaphore, #tpu.memory_space<semaphore_mem>>) src(%arg11 : memref<128x128xf32, #tpu.memory_space<vmem>>) dst(%dma_wait3A_55 : memref<10240x128xf32, #tpu.memory_space<vmem_shared>>)
    %dma_wait3A_56 = arith.constant 0 : i32
    %dma_wait3A_57 = arith.constant 0 : i32
    %dma_wait3A_58 = tpu.memref_slice %arg19[%dma_wait3A_56, %dma_wait3A_57] : memref<10240x128xf32, #tpu.memory_space<vmem_shared>> -> memref<10240x128xf32, #tpu.memory_space<vmem_shared>>
    tpu.wait_indirect_dma semaphore(%arg18 : memref<!tpu.dma_semaphore, #tpu.memory_space<semaphore_mem>>) src(%arg12 : memref<128x128xf32, #tpu.memory_space<vmem>>) dst(%dma_wait3A_58 : memref<10240x128xf32, #tpu.memory_space<vmem_shared>>)
    %barrier3A_59 = arith.constant 0 : index
    tpu.barrier barrier_id(%barrier3A_59)
    %mul3A_60 = arith.constant 640 : i32
    %mul3A_61 = arith.muli %arg1, %mul3A_60 : i32
    %mul3A_62 = arith.constant 640 : i32
    %mul3A_63 = arith.muli %arg1, %mul3A_62 : i32
    "tpu.region"() ({
      %run_scoped3A = tpu.sem_alloc : memref<!tpu.dma_semaphore, #tpu.memory_space<semaphore_mem>>
      %dma_start3A_64 = arith.constant 0 : i32
      %dma_start3A_65 = tpu.memref_slice %arg6[%arg0, %mul3A_63, %dma_start3A_64] : memref<2x10240x128xf32, #tpu.memory_space<hbm>> -> memref<1x640x128xf32, #tpu.memory_space<hbm>>
      %dma_start3A_66 = tpu.memref_squeeze %dma_start3A_65 : memref<1x640x128xf32, #tpu.memory_space<hbm>> -> memref<640x128xf32, #tpu.memory_space<hbm>>
      %dma_start3A_67 = arith.constant 0 : i32
      %dma_start3A_68 = tpu.memref_slice %arg19[%mul3A_61, %dma_start3A_67] : memref<10240x128xf32, #tpu.memory_space<vmem_shared>> -> memref<640x128xf32, #tpu.memory_space<vmem_shared>>
      tpu.enqueue_dma source(%dma_start3A_68 : memref<640x128xf32, #tpu.memory_space<vmem_shared>>) target(%dma_start3A_66 : memref<640x128xf32, #tpu.memory_space<hbm>>) target_semaphore(%run_scoped3A : memref<!tpu.dma_semaphore, #tpu.memory_space<semaphore_mem>>)
      %dma_wait3A_69 = arith.constant 0 : i32
      %dma_wait3A_70 = tpu.memref_slice %arg6[%arg0, %mul3A_63, %dma_wait3A_69] : memref<2x10240x128xf32, #tpu.memory_space<hbm>> -> memref<1x640x128xf32, #tpu.memory_space<hbm>>
      %dma_wait3A_71 = tpu.memref_squeeze %dma_wait3A_70 : memref<1x640x128xf32, #tpu.memory_space<hbm>> -> memref<640x128xf32, #tpu.memory_space<hbm>>
      %dma_wait3A_72 = arith.constant 0 : i32
      %dma_wait3A_73 = tpu.memref_slice %arg19[%mul3A_61, %dma_wait3A_72] : memref<10240x128xf32, #tpu.memory_space<vmem_shared>> -> memref<640x128xf32, #tpu.memory_space<vmem_shared>>
      tpu.wait_dma2 semaphore(%run_scoped3A : memref<!tpu.dma_semaphore, #tpu.memory_space<semaphore_mem>>) src(%dma_wait3A_73 : memref<640x128xf32, #tpu.memory_space<vmem_shared>>) dst(%dma_wait3A_71 : memref<640x128xf32, #tpu.memory_space<hbm>>)
      tpu.yield
    }) : () -> ()
    return
  }
}

#map = affine_map<(d0, d1) -> (0, 0, 0)>
#map1 = affine_map<(d0, d1) -> (0)>
#map2 = affine_map<(d0, d1) -> (0, 0)>
module attributes {stable_mosaic.version = 14 : i64} {
  func.func @_deg_body(%arg0: i32, %arg1: i32, %arg2: memref<32x80x128xi32, #tpu.memory_space<hbm>>, %arg3: memref<10240xf32, #tpu.memory_space<hbm>>, %arg4: memref<2x10240xf32, #tpu.memory_space<hbm>>, %arg5: memref<80x128xi32, #tpu.memory_space<vmem>>, %arg6: memref<128xf32, #tpu.memory_space<vmem>>, %arg7: memref<10240xf32, #tpu.memory_space<vmem_shared>>) attributes {dimension_semantics = [#tpu.dimension_semantics<core_parallel>, #tpu.dimension_semantics<subcore_parallel>], iteration_bounds = array<i64: 2, 16>, scalar_prefetch = 0 : i64, scratch_operands = 3 : i64, tpu.core_type = #tpu.core_type<sc_vector_subcore>, window_params = [{transform_indices = #map}, {transform_indices = #map1}, {transform_indices = #map2}]} {
    %mul3A = arith.constant 2 : i32
    %mul3A_0 = arith.muli %arg1, %mul3A : i32
    %add3A = arith.addi %mul3A_0, %arg0 : i32
    %eq3A = arith.constant 0 : i32
    %eq3A_1 = arith.cmpi eq, %arg1, %eq3A : i32
    %convert_element_type3A = arith.extui %eq3A_1 : i1 to i32
    %cond3A = arith.constant 0 : i32
    %cond3A_2 = arith.cmpi ne, %convert_element_type3A, %cond3A : i32
    scf.if %cond3A_2 {
      "tpu.region"() ({
        %run_scoped3A = tpu.sem_alloc : memref<!tpu.dma_semaphore, #tpu.memory_space<semaphore_mem>>
        tpu.enqueue_dma source(%arg3 : memref<10240xf32, #tpu.memory_space<hbm>>) target(%arg7 : memref<10240xf32, #tpu.memory_space<vmem_shared>>) target_semaphore(%run_scoped3A : memref<!tpu.dma_semaphore, #tpu.memory_space<semaphore_mem>>)
        tpu.wait_dma2 semaphore(%run_scoped3A : memref<!tpu.dma_semaphore, #tpu.memory_space<semaphore_mem>>) src(%arg3 : memref<10240xf32, #tpu.memory_space<hbm>>) dst(%arg7 : memref<10240xf32, #tpu.memory_space<vmem_shared>>)
        tpu.yield
      }) : () -> ()
    } else {
    }
    %broadcast_in_dim3A = arith.constant 1.000000e+00 : f32
    %broadcast_in_dim3A_3 = vector.broadcast %broadcast_in_dim3A : f32 to vector<16xf32>
    %swap3A = arith.constant 0 : index
    %swap3A_4 = tpu.vector_load %arg6[%swap3A] {strides = array<i32>} : memref<128xf32, #tpu.memory_space<vmem>>, vector<16xf32>,
    %swap3A_5 = vector.shape_cast %swap3A_4 : vector<16xf32> to vector<16xf32>
    %swap3A_6 = vector.shape_cast %broadcast_in_dim3A_3 : vector<16xf32> to vector<16xf32>
    tpu.vector_store %arg6[%swap3A], %swap3A_6 {strides = array<i32>} : memref<128xf32, #tpu.memory_space<vmem>>, vector<16xf32>,
    %broadcast_in_dim3A_7 = arith.constant 1.000000e+00 : f32
    %broadcast_in_dim3A_8 = vector.broadcast %broadcast_in_dim3A_7 : f32 to vector<16xf32>
    %swap3A_9 = arith.constant 16 : index
    %swap3A_10 = tpu.vector_load %arg6[%swap3A_9] {strides = array<i32>} : memref<128xf32, #tpu.memory_space<vmem>>, vector<16xf32>,
    %swap3A_11 = vector.shape_cast %swap3A_10 : vector<16xf32> to vector<16xf32>
    %swap3A_12 = vector.shape_cast %broadcast_in_dim3A_8 : vector<16xf32> to vector<16xf32>
    tpu.vector_store %arg6[%swap3A_9], %swap3A_12 {strides = array<i32>} : memref<128xf32, #tpu.memory_space<vmem>>, vector<16xf32>,
    %broadcast_in_dim3A_13 = arith.constant 1.000000e+00 : f32
    %broadcast_in_dim3A_14 = vector.broadcast %broadcast_in_dim3A_13 : f32 to vector<16xf32>
    %swap3A_15 = arith.constant 32 : index
    %swap3A_16 = tpu.vector_load %arg6[%swap3A_15] {strides = array<i32>} : memref<128xf32, #tpu.memory_space<vmem>>, vector<16xf32>,
    %swap3A_17 = vector.shape_cast %swap3A_16 : vector<16xf32> to vector<16xf32>
    %swap3A_18 = vector.shape_cast %broadcast_in_dim3A_14 : vector<16xf32> to vector<16xf32>
    tpu.vector_store %arg6[%swap3A_15], %swap3A_18 {strides = array<i32>} : memref<128xf32, #tpu.memory_space<vmem>>, vector<16xf32>,
    %broadcast_in_dim3A_19 = arith.constant 1.000000e+00 : f32
    %broadcast_in_dim3A_20 = vector.broadcast %broadcast_in_dim3A_19 : f32 to vector<16xf32>
    %swap3A_21 = arith.constant 48 : index
    %swap3A_22 = tpu.vector_load %arg6[%swap3A_21] {strides = array<i32>} : memref<128xf32, #tpu.memory_space<vmem>>, vector<16xf32>,
    %swap3A_23 = vector.shape_cast %swap3A_22 : vector<16xf32> to vector<16xf32>
    %swap3A_24 = vector.shape_cast %broadcast_in_dim3A_20 : vector<16xf32> to vector<16xf32>
    tpu.vector_store %arg6[%swap3A_21], %swap3A_24 {strides = array<i32>} : memref<128xf32, #tpu.memory_space<vmem>>, vector<16xf32>,
    %broadcast_in_dim3A_25 = arith.constant 1.000000e+00 : f32
    %broadcast_in_dim3A_26 = vector.broadcast %broadcast_in_dim3A_25 : f32 to vector<16xf32>
    %swap3A_27 = arith.constant 64 : index
    %swap3A_28 = tpu.vector_load %arg6[%swap3A_27] {strides = array<i32>} : memref<128xf32, #tpu.memory_space<vmem>>, vector<16xf32>,
    %swap3A_29 = vector.shape_cast %swap3A_28 : vector<16xf32> to vector<16xf32>
    %swap3A_30 = vector.shape_cast %broadcast_in_dim3A_26 : vector<16xf32> to vector<16xf32>
    tpu.vector_store %arg6[%swap3A_27], %swap3A_30 {strides = array<i32>} : memref<128xf32, #tpu.memory_space<vmem>>, vector<16xf32>,
    %broadcast_in_dim3A_31 = arith.constant 1.000000e+00 : f32
    %broadcast_in_dim3A_32 = vector.broadcast %broadcast_in_dim3A_31 : f32 to vector<16xf32>
    %swap3A_33 = arith.constant 80 : index
    %swap3A_34 = tpu.vector_load %arg6[%swap3A_33] {strides = array<i32>} : memref<128xf32, #tpu.memory_space<vmem>>, vector<16xf32>,
    %swap3A_35 = vector.shape_cast %swap3A_34 : vector<16xf32> to vector<16xf32>
    %swap3A_36 = vector.shape_cast %broadcast_in_dim3A_32 : vector<16xf32> to vector<16xf32>
    tpu.vector_store %arg6[%swap3A_33], %swap3A_36 {strides = array<i32>} : memref<128xf32, #tpu.memory_space<vmem>>, vector<16xf32>,
    %broadcast_in_dim3A_37 = arith.constant 1.000000e+00 : f32
    %broadcast_in_dim3A_38 = vector.broadcast %broadcast_in_dim3A_37 : f32 to vector<16xf32>
    %swap3A_39 = arith.constant 96 : index
    %swap3A_40 = tpu.vector_load %arg6[%swap3A_39] {strides = array<i32>} : memref<128xf32, #tpu.memory_space<vmem>>, vector<16xf32>,
    %swap3A_41 = vector.shape_cast %swap3A_40 : vector<16xf32> to vector<16xf32>
    %swap3A_42 = vector.shape_cast %broadcast_in_dim3A_38 : vector<16xf32> to vector<16xf32>
    tpu.vector_store %arg6[%swap3A_39], %swap3A_42 {strides = array<i32>} : memref<128xf32, #tpu.memory_space<vmem>>, vector<16xf32>,
    %broadcast_in_dim3A_43 = arith.constant 1.000000e+00 : f32
    %broadcast_in_dim3A_44 = vector.broadcast %broadcast_in_dim3A_43 : f32 to vector<16xf32>
    %swap3A_45 = arith.constant 112 : index
    %swap3A_46 = tpu.vector_load %arg6[%swap3A_45] {strides = array<i32>} : memref<128xf32, #tpu.memory_space<vmem>>, vector<16xf32>,
    %swap3A_47 = vector.shape_cast %swap3A_46 : vector<16xf32> to vector<16xf32>
    %swap3A_48 = vector.shape_cast %broadcast_in_dim3A_44 : vector<16xf32> to vector<16xf32>
    tpu.vector_store %arg6[%swap3A_45], %swap3A_48 {strides = array<i32>} : memref<128xf32, #tpu.memory_space<vmem>>, vector<16xf32>,
    %barrier3A = arith.constant 0 : index
    tpu.barrier barrier_id(%barrier3A)
    "tpu.region"() ({
      %run_scoped3A = tpu.sem_alloc : memref<!tpu.dma_semaphore, #tpu.memory_space<semaphore_mem>>
      %dma_start3A = arith.constant 0 : i32
      %dma_start3A_59 = arith.constant 0 : i32
      %dma_start3A_60 = tpu.memref_slice %arg2[%add3A, %dma_start3A, %dma_start3A_59] : memref<32x80x128xi32, #tpu.memory_space<hbm>> -> memref<1x80x128xi32, #tpu.memory_space<hbm>>
      %dma_start3A_61 = tpu.memref_squeeze %dma_start3A_60 : memref<1x80x128xi32, #tpu.memory_space<hbm>> -> memref<80x128xi32, #tpu.memory_space<hbm>>
      %dma_start3A_62 = arith.constant 0 : i32
      %dma_start3A_63 = arith.constant 0 : i32
      %dma_start3A_64 = tpu.memref_slice %arg2[%add3A, %dma_start3A_62, %dma_start3A_63] : memref<32x80x128xi32, #tpu.memory_space<hbm>> -> memref<1x80x128xi32, #tpu.memory_space<hbm>>
      %dma_start3A_65 = tpu.memref_squeeze %dma_start3A_64 : memref<1x80x128xi32, #tpu.memory_space<hbm>> -> memref<80x128xi32, #tpu.memory_space<hbm>>
      tpu.enqueue_dma source(%dma_start3A_65 : memref<80x128xi32, #tpu.memory_space<hbm>>) target(%arg5 : memref<80x128xi32, #tpu.memory_space<vmem>>) target_semaphore(%run_scoped3A : memref<!tpu.dma_semaphore, #tpu.memory_space<semaphore_mem>>)
      %dma_wait3A = arith.constant 0 : i32
      %dma_wait3A_66 = arith.constant 0 : i32
      %dma_wait3A_67 = tpu.memref_slice %arg2[%add3A, %dma_wait3A, %dma_wait3A_66] : memref<32x80x128xi32, #tpu.memory_space<hbm>> -> memref<1x80x128xi32, #tpu.memory_space<hbm>>
      %dma_wait3A_68 = tpu.memref_squeeze %dma_wait3A_67 : memref<1x80x128xi32, #tpu.memory_space<hbm>> -> memref<80x128xi32, #tpu.memory_space<hbm>>
      %dma_wait3A_69 = arith.constant 0 : i32
      %dma_wait3A_70 = arith.constant 0 : i32
      %dma_wait3A_71 = tpu.memref_slice %arg2[%add3A, %dma_wait3A_69, %dma_wait3A_70] : memref<32x80x128xi32, #tpu.memory_space<hbm>> -> memref<1x80x128xi32, #tpu.memory_space<hbm>>
      %dma_wait3A_72 = tpu.memref_squeeze %dma_wait3A_71 : memref<1x80x128xi32, #tpu.memory_space<hbm>> -> memref<80x128xi32, #tpu.memory_space<hbm>>
      tpu.wait_dma2 semaphore(%run_scoped3A : memref<!tpu.dma_semaphore, #tpu.memory_space<semaphore_mem>>) src(%dma_wait3A_72 : memref<80x128xi32, #tpu.memory_space<hbm>>) dst(%arg5 : memref<80x128xi32, #tpu.memory_space<vmem>>)
      tpu.yield
    }) : () -> ()
    %scan3A = arith.constant 0 : i32
    %scan3A_49 = arith.constant 0 : i32
    %scan3A_50 = arith.constant 80 : i32
    %scan3A_51 = arith.addi %scan3A_49, %scan3A_50 : i32
    %scan3A_52 = arith.constant 1 : i32
    scf.for %scan3A_59 = %scan3A_49 to %scan3A_51 step %scan3A_52  : i32 {
      "tpu.region"() ({
        %run_scoped3A = tpu.sem_alloc : memref<!tpu.dma_semaphore, #tpu.memory_space<semaphore_mem>>
        %dma_start3A = arith.constant 0 : i32
        %dma_start3A_60 = tpu.memref_slice %arg5[%scan3A_59, %dma_start3A] : memref<80x128xi32, #tpu.memory_space<vmem>> -> memref<1x128xi32, #tpu.memory_space<vmem>>
        %dma_start3A_61 = tpu.memref_squeeze %dma_start3A_60 : memref<1x128xi32, #tpu.memory_space<vmem>> -> memref<128xi32, #tpu.memory_space<vmem>>
        %dma_start3A_62 = arith.constant 0 : i32
        %dma_start3A_63 = tpu.memref_slice %arg7[%dma_start3A_62] : memref<10240xf32, #tpu.memory_space<vmem_shared>> -> memref<10240xf32, #tpu.memory_space<vmem_shared>>
        tpu.enqueue_indirect_dma source(%arg6 : memref<128xf32, #tpu.memory_space<vmem>>) target(%dma_start3A_63 : memref<10240xf32, #tpu.memory_space<vmem_shared>>) offsets(%dma_start3A_61 : memref<128xi32, #tpu.memory_space<vmem>>) semaphore(%run_scoped3A : memref<!tpu.dma_semaphore, #tpu.memory_space<semaphore_mem>>) {add = true}
        %dma_wait3A = arith.constant 0 : i32
        %dma_wait3A_64 = tpu.memref_slice %arg5[%scan3A_59, %dma_wait3A] : memref<80x128xi32, #tpu.memory_space<vmem>> -> memref<1x128xi32, #tpu.memory_space<vmem>>
        %dma_wait3A_65 = tpu.memref_squeeze %dma_wait3A_64 : memref<1x128xi32, #tpu.memory_space<vmem>> -> memref<128xi32, #tpu.memory_space<vmem>>
        %dma_wait3A_66 = arith.constant 0 : i32
        %dma_wait3A_67 = tpu.memref_slice %arg7[%dma_wait3A_66] : memref<10240xf32, #tpu.memory_space<vmem_shared>> -> memref<10240xf32, #tpu.memory_space<vmem_shared>>
        tpu.wait_indirect_dma semaphore(%run_scoped3A : memref<!tpu.dma_semaphore, #tpu.memory_space<semaphore_mem>>) src(%arg6 : memref<128xf32, #tpu.memory_space<vmem>>) dst(%dma_wait3A_67 : memref<10240xf32, #tpu.memory_space<vmem_shared>>)
        tpu.yield
      }) : () -> ()
    }
    %scan3A_53 = arith.constant 80 : i32
    %barrier3A_54 = arith.constant 0 : index
    tpu.barrier barrier_id(%barrier3A_54)
    %mul3A_55 = arith.constant 640 : i32
    %mul3A_56 = arith.muli %arg1, %mul3A_55 : i32
    %mul3A_57 = arith.constant 640 : i32
    %mul3A_58 = arith.muli %arg1, %mul3A_57 : i32
    "tpu.region"() ({
      %run_scoped3A = tpu.sem_alloc : memref<!tpu.dma_semaphore, #tpu.memory_space<semaphore_mem>>
      %dma_start3A = tpu.memref_slice %arg4[%arg0, %mul3A_58] : memref<2x10240xf32, #tpu.memory_space<hbm>> -> memref<1x640xf32, #tpu.memory_space<hbm>>
      %dma_start3A_59 = tpu.memref_squeeze %dma_start3A : memref<1x640xf32, #tpu.memory_space<hbm>> -> memref<640xf32, #tpu.memory_space<hbm>>
      %dma_start3A_60 = tpu.memref_slice %arg7[%mul3A_56] : memref<10240xf32, #tpu.memory_space<vmem_shared>> -> memref<640xf32, #tpu.memory_space<vmem_shared>>
      tpu.enqueue_dma source(%dma_start3A_60 : memref<640xf32, #tpu.memory_space<vmem_shared>>) target(%dma_start3A_59 : memref<640xf32, #tpu.memory_space<hbm>>) target_semaphore(%run_scoped3A : memref<!tpu.dma_semaphore, #tpu.memory_space<semaphore_mem>>)
      %dma_wait3A = tpu.memref_slice %arg4[%arg0, %mul3A_58] : memref<2x10240xf32, #tpu.memory_space<hbm>> -> memref<1x640xf32, #tpu.memory_space<hbm>>
      %dma_wait3A_61 = tpu.memref_squeeze %dma_wait3A : memref<1x640xf32, #tpu.memory_space<hbm>> -> memref<640xf32, #tpu.memory_space<hbm>>
      %dma_wait3A_62 = tpu.memref_slice %arg7[%mul3A_56] : memref<10240xf32, #tpu.memory_space<vmem_shared>> -> memref<640xf32, #tpu.memory_space<vmem_shared>>
      tpu.wait_dma2 semaphore(%run_scoped3A : memref<!tpu.dma_semaphore, #tpu.memory_space<semaphore_mem>>) src(%dma_wait3A_62 : memref<640xf32, #tpu.memory_space<vmem_shared>>) dst(%dma_wait3A_61 : memref<640xf32, #tpu.memory_space<hbm>>)
      tpu.yield
    }) : () -> ()
    return
  }
}

module attributes {stable_mosaic.version = 14 : i64} {
  func.func @_mm_body(%arg0: i32, %arg1: memref<1024x128xf32, #tpu.memory_space<vmem>>, %arg2: memref<128x128xf32, #tpu.memory_space<vmem>>, %arg3: memref<1024x128xf32, #tpu.memory_space<vmem>>) attributes {dimension_semantics = [#tpu.dimension_semantics<arbitrary>], iteration_bounds = array<i64: 10>, scalar_prefetch = 0 : i64, scratch_operands = 0 : i64, tpu.core_type = #tpu.core_type<tc>, window_params = [{transform_indices = @transform_0, window_bounds = array<i64: 1024, 128>}, {pipeline_mode = #tpu.pipeline_mode<synchronous>, transform_indices = @transform_1, window_bounds = array<i64: 128, 128>}, {transform_indices = @transform_2, window_bounds = array<i64: 1024, 128>}]} {
    %get3A = arith.constant 0 : index
    %get3A_0 = arith.constant 0 : index
    %get3A_1 = vector.load %arg1[%get3A, %get3A_0] : memref<1024x128xf32, #tpu.memory_space<vmem>>, vector<1024x128xf32>
    %get3A_2 = arith.constant 0 : index
    %get3A_3 = arith.constant 0 : index
    %get3A_4 = vector.load %arg2[%get3A_2, %get3A_3] : memref<128x128xf32, #tpu.memory_space<vmem>>, vector<128x128xf32>
    %dot_general3A = arith.constant dense<0.000000e+00> : vector<1024x128xf32>
    %dot_general3A_5 = tpu.matmul %get3A_1, %get3A_4, %dot_general3A {dimension_numbers = #tpu.dot_dimension_numbers<[1], [0], [0], [1], [0, 0, 1, 1], [], []>, transpose_lhs_hint = false} : vector<1024x128xf32>, vector<128x128xf32>, vector<1024x128xf32> -> vector<1024x128xf32>
    %swap3A = arith.constant 0 : index
    %swap3A_6 = arith.constant 0 : index
    %swap3A_7 = vector.load %arg3[%swap3A, %swap3A_6] : memref<1024x128xf32, #tpu.memory_space<vmem>>, vector<1024x128xf32>
    tpu.vector_store %arg3[%swap3A, %swap3A_6], %dot_general3A_5 {strides = array<i32>} : memref<1024x128xf32, #tpu.memory_space<vmem>>, vector<1024x128xf32>,
    return
  }
  func.func @transform_0(%arg0: i32) -> (i32, i32) {
    %c0_i32 = arith.constant 0 : i32
    %c0_i32_0 = arith.constant 0 : i32
    return %arg0, %c0_i32 : i32, i32
  }
  func.func @transform_1(%arg0: i32) -> (i32, i32) {
    %c0_i32 = arith.constant 0 : i32
    %c0_i32_0 = arith.constant 0 : i32
    %c0_i32_1 = arith.constant 0 : i32
    return %c0_i32, %c0_i32_0 : i32, i32
  }
  func.func @transform_2(%arg0: i32) -> (i32, i32) {
    %c0_i32 = arith.constant 0 : i32
    %c0_i32_0 = arith.constant 0 : i32
    return %arg0, %c0_i32 : i32, i32
  }
}

module attributes {stable_mosaic.version = 14 : i64} {
  func.func @_prep_body(%arg0: i32, %arg1: memref<2x1024xf32, #tpu.memory_space<vmem>>, %arg2: memref<1024x128xf32, #tpu.memory_space<vmem>>, %arg3: memref<1024x128xf32, #tpu.memory_space<vmem>>, %arg4: memref<1024x1xf32, #tpu.memory_space<vmem>>) attributes {dimension_semantics = [#tpu.dimension_semantics<arbitrary>], iteration_bounds = array<i64: 10>, scalar_prefetch = 0 : i64, scratch_operands = 0 : i64, tpu.core_type = #tpu.core_type<tc>, window_params = [{transform_indices = @transform_0, window_bounds = array<i64: 2, 1024>}, {transform_indices = @transform_1, window_bounds = array<i64: 1024, 128>}, {transform_indices = @transform_2, window_bounds = array<i64: 1024, 128>}, {transform_indices = @transform_3, window_bounds = array<i64: 1024, 1>}]} {
    %get3A = arith.constant 0 : index
    %get3A_0 = arith.constant 0 : index
    %get3A_1 = vector.load %arg1[%get3A, %get3A_0] : memref<2x1024xf32, #tpu.memory_space<vmem>>, vector<1x1024xf32>
    %get3A_2 = vector.shape_cast %get3A_1 : vector<1x1024xf32> to vector<1024xf32>
    %get3A_3 = arith.constant 1 : index
    %get3A_4 = arith.constant 0 : index
    %get3A_5 = vector.load %arg1[%get3A_3, %get3A_4] : memref<2x1024xf32, #tpu.memory_space<vmem>>, vector<1x1024xf32>
    %get3A_6 = vector.shape_cast %get3A_5 : vector<1x1024xf32> to vector<1024xf32>
    %add3A = arith.addf %get3A_2, %get3A_6 : vector<1024xf32>
    %add3A_7 = arith.constant 1.000000e+00 : f32
    %add3A_8 = vector.broadcast %add3A_7 : f32 to vector<1024xf32>
    %add3A_9 = arith.addf %add3A, %add3A_8 : vector<1024xf32>
    %iota3A = tpu.iota {dimensions = array<i32: 0>} : vector<1024x1xi32>
    %mul3A = arith.constant 1024 : i32
    %mul3A_10 = arith.muli %arg0, %mul3A : i32
    %add3A_11 = vector.broadcast %mul3A_10 : i32 to vector<1024x1xi32>
    %add3A_12 = arith.addi %iota3A, %add3A_11 : vector<1024x1xi32>
    %lt3A = arith.constant 10000 : i32
    %lt3A_13 = vector.broadcast %lt3A : i32 to vector<1024x1xi32>
    %lt3A_14 = arith.cmpi slt, %add3A_12, %lt3A_13 : vector<1024x1xi32>
    %jit3A = arith.constant 1.000000e+00 : f32
    %jit3A_15 = arith.constant 0.000000e+00 : f32
    %broadcast_in_dim3A = vector.broadcast %jit3A : f32 to vector<1024x1xf32>
    %broadcast_in_dim3A_16 = vector.broadcast %jit3A_15 : f32 to vector<1024x1xf32>
    %select_n3A = arith.select %lt3A_14, %broadcast_in_dim3A, %broadcast_in_dim3A_16 : vector<1024x1xi1>, vector<1024x1xf32>
    %rsqrt3A = math.rsqrt %add3A_9 : vector<1024xf32>
    %broadcast_in_dim3A_17 = vector.shape_cast %rsqrt3A : vector<1024xf32> to vector<1024x1xf32>
    %mul3A_18 = arith.mulf %broadcast_in_dim3A_17, %select_n3A : vector<1024x1xf32>
    %swap3A = arith.constant 0 : index
    %swap3A_19 = arith.constant 0 : index
    %swap3A_20 = vector.load %arg4[%swap3A, %swap3A_19] : memref<1024x1xf32, #tpu.memory_space<vmem>>, vector<1024x1xf32>
    tpu.vector_store %arg4[%swap3A, %swap3A_19], %mul3A_18 {strides = array<i32>} : memref<1024x1xf32, #tpu.memory_space<vmem>>, vector<1024x1xf32>,
    %get3A_21 = arith.constant 0 : index
    %get3A_22 = arith.constant 0 : index
    %get3A_23 = vector.load %arg2[%get3A_21, %get3A_22] : memref<1024x128xf32, #tpu.memory_space<vmem>>, vector<1024x128xf32>
    %mul3A_24 = vector.broadcast %mul3A_18 : vector<1024x1xf32> to vector<1024x128xf32>
    %mul3A_25 = arith.mulf %get3A_23, %mul3A_24 : vector<1024x128xf32>
    %swap3A_26 = arith.constant 0 : index
    %swap3A_27 = arith.constant 0 : index
    %swap3A_28 = vector.load %arg3[%swap3A_26, %swap3A_27] : memref<1024x128xf32, #tpu.memory_space<vmem>>, vector<1024x128xf32>
    tpu.vector_store %arg3[%swap3A_26, %swap3A_27], %mul3A_25 {strides = array<i32>} : memref<1024x128xf32, #tpu.memory_space<vmem>>, vector<1024x128xf32>,
    return
  }
  func.func @transform_0(%arg0: i32) -> (i32, i32) {
    %c0_i32 = arith.constant 0 : i32
    %c0_i32_0 = arith.constant 0 : i32
    return %c0_i32, %arg0 : i32, i32
  }
  func.func @transform_1(%arg0: i32) -> (i32, i32) {
    %c0_i32 = arith.constant 0 : i32
    %c0_i32_0 = arith.constant 0 : i32
    return %arg0, %c0_i32 : i32, i32
  }
  func.func @transform_2(%arg0: i32) -> (i32, i32) {
    %c0_i32 = arith.constant 0 : i32
    %c0_i32_0 = arith.constant 0 : i32
    return %arg0, %c0_i32 : i32, i32
  }
  func.func @transform_3(%arg0: i32) -> (i32, i32) {
    %c0_i32 = arith.constant 0 : i32
    %c0_i32_0 = arith.constant 0 : i32
    return %arg0, %c0_i32 : i32, i32
  }
}

module attributes {stable_mosaic.version = 14 : i64} {
  func.func @_mid_body(%arg0: i32, %arg1: memref<1024x128xf32, #tpu.memory_space<vmem>>, %arg2: memref<1024x128xf32, #tpu.memory_space<vmem>>, %arg3: memref<1024x128xf32, #tpu.memory_space<vmem>>, %arg4: memref<1024x1xf32, #tpu.memory_space<vmem>>, %arg5: memref<1x128xf32, #tpu.memory_space<vmem>>, %arg6: memref<128x128xf32, #tpu.memory_space<vmem>>, %arg7: memref<1024x128xf32, #tpu.memory_space<vmem>>) attributes {dimension_semantics = [#tpu.dimension_semantics<arbitrary>], iteration_bounds = array<i64: 10>, scalar_prefetch = 0 : i64, scratch_operands = 0 : i64, tpu.core_type = #tpu.core_type<tc>, window_params = [{transform_indices = @transform_0, window_bounds = array<i64: 1024, 128>}, {transform_indices = @transform_1, window_bounds = array<i64: 1024, 128>}, {transform_indices = @transform_2, window_bounds = array<i64: 1024, 128>}, {transform_indices = @transform_3, window_bounds = array<i64: 1024, 1>}, {pipeline_mode = #tpu.pipeline_mode<synchronous>, transform_indices = @transform_4, window_bounds = array<i64: 1, 128>}, {pipeline_mode = #tpu.pipeline_mode<synchronous>, transform_indices = @transform_5, window_bounds = array<i64: 128, 128>}, {transform_indices = @transform_6, window_bounds = array<i64: 1024, 128>}]} {
    %get3A = arith.constant 0 : index
    %get3A_0 = arith.constant 0 : index
    %get3A_1 = vector.load %arg4[%get3A, %get3A_0] : memref<1024x1xf32, #tpu.memory_space<vmem>>, vector<1024x1xf32>
    %get3A_2 = arith.constant 0 : index
    %get3A_3 = arith.constant 0 : index
    %get3A_4 = vector.load %arg1[%get3A_2, %get3A_3] : memref<1024x128xf32, #tpu.memory_space<vmem>>, vector<1024x128xf32>
    %get3A_5 = arith.constant 0 : index
    %get3A_6 = arith.constant 0 : index
    %get3A_7 = vector.load %arg2[%get3A_5, %get3A_6] : memref<1024x128xf32, #tpu.memory_space<vmem>>, vector<1024x128xf32>
    %add3A = arith.addf %get3A_4, %get3A_7 : vector<1024x128xf32>
    %get3A_8 = arith.constant 0 : index
    %get3A_9 = arith.constant 0 : index
    %get3A_10 = vector.load %arg3[%get3A_8, %get3A_9] : memref<1024x128xf32, #tpu.memory_space<vmem>>, vector<1024x128xf32>
    %add3A_11 = arith.addf %add3A, %get3A_10 : vector<1024x128xf32>
    %mul3A = vector.broadcast %get3A_1 : vector<1024x1xf32> to vector<1024x128xf32>
    %mul3A_12 = arith.mulf %add3A_11, %mul3A : vector<1024x128xf32>
    %get3A_13 = arith.constant 0 : index
    %get3A_14 = arith.constant 0 : index
    %get3A_15 = vector.load %arg5[%get3A_13, %get3A_14] : memref<1x128xf32, #tpu.memory_space<vmem>>, vector<1x128xf32>
    %add3A_16 = vector.broadcast %get3A_15 : vector<1x128xf32> to vector<1024x128xf32>
    %add3A_17 = arith.addf %mul3A_12, %add3A_16 : vector<1024x128xf32>
    %max3A = arith.constant 0.000000e+00 : f32
    %max3A_18 = vector.broadcast %max3A : f32 to vector<1024x128xf32>
    %max3A_19 = arith.maximumf %add3A_17, %max3A_18 : vector<1024x128xf32>
    %get3A_20 = arith.constant 0 : index
    %get3A_21 = arith.constant 0 : index
    %get3A_22 = vector.load %arg6[%get3A_20, %get3A_21] : memref<128x128xf32, #tpu.memory_space<vmem>>, vector<128x128xf32>
    %dot_general3A = arith.constant dense<0.000000e+00> : vector<1024x128xf32>
    %dot_general3A_23 = tpu.matmul %max3A_19, %get3A_22, %dot_general3A {dimension_numbers = #tpu.dot_dimension_numbers<[1], [0], [0], [1], [0, 0, 1, 1], [], []>, transpose_lhs_hint = false} : vector<1024x128xf32>, vector<128x128xf32>, vector<1024x128xf32> -> vector<1024x128xf32>
    %mul3A_24 = vector.broadcast %get3A_1 : vector<1024x1xf32> to vector<1024x128xf32>
    %mul3A_25 = arith.mulf %dot_general3A_23, %mul3A_24 : vector<1024x128xf32>
    %swap3A = arith.constant 0 : index
    %swap3A_26 = arith.constant 0 : index
    %swap3A_27 = vector.load %arg7[%swap3A, %swap3A_26] : memref<1024x128xf32, #tpu.memory_space<vmem>>, vector<1024x128xf32>
    tpu.vector_store %arg7[%swap3A, %swap3A_26], %mul3A_25 {strides = array<i32>} : memref<1024x128xf32, #tpu.memory_space<vmem>>, vector<1024x128xf32>,
    return
  }
  func.func @transform_0(%arg0: i32) -> (i32, i32) {
    %c0_i32 = arith.constant 0 : i32
    %c0_i32_0 = arith.constant 0 : i32
    return %arg0, %c0_i32 : i32, i32
  }
  func.func @transform_1(%arg0: i32) -> (i32, i32) {
    %c0_i32 = arith.constant 0 : i32
    %c0_i32_0 = arith.constant 0 : i32
    return %arg0, %c0_i32 : i32, i32
  }
  func.func @transform_2(%arg0: i32) -> (i32, i32) {
    %c0_i32 = arith.constant 0 : i32
    %c0_i32_0 = arith.constant 0 : i32
    return %arg0, %c0_i32 : i32, i32
  }
  func.func @transform_3(%arg0: i32) -> (i32, i32) {
    %c0_i32 = arith.constant 0 : i32
    %c0_i32_0 = arith.constant 0 : i32
    return %arg0, %c0_i32 : i32, i32
  }
  func.func @transform_4(%arg0: i32) -> (i32, i32) {
    %c0_i32 = arith.constant 0 : i32
    %c0_i32_0 = arith.constant 0 : i32
    %c0_i32_1 = arith.constant 0 : i32
    return %c0_i32, %c0_i32_0 : i32, i32
  }
  func.func @transform_5(%arg0: i32) -> (i32, i32) {
    %c0_i32 = arith.constant 0 : i32
    %c0_i32_0 = arith.constant 0 : i32
    %c0_i32_1 = arith.constant 0 : i32
    return %c0_i32, %c0_i32_0 : i32, i32
  }
  func.func @transform_6(%arg0: i32) -> (i32, i32) {
    %c0_i32 = arith.constant 0 : i32
    %c0_i32_0 = arith.constant 0 : i32
    return %arg0, %c0_i32 : i32, i32
  }
}

module attributes {stable_mosaic.version = 14 : i64} {
  func.func @_final_body(%arg0: i32, %arg1: memref<1024x128xf32, #tpu.memory_space<vmem>>, %arg2: memref<1024x128xf32, #tpu.memory_space<vmem>>, %arg3: memref<1024x128xf32, #tpu.memory_space<vmem>>, %arg4: memref<1024x1xf32, #tpu.memory_space<vmem>>, %arg5: memref<1x128xf32, #tpu.memory_space<vmem>>, %arg6: memref<1x1x1024xf32, #tpu.memory_space<vmem>>, %arg7: memref<128x64xf32, #tpu.memory_space<vmem>>, %arg8: memref<1x64xf32, #tpu.memory_space<vmem>>, %arg9: memref<64x64xf32, #tpu.memory_space<vmem>>, %arg10: memref<1x64xf32, #tpu.memory_space<vmem>>, %arg11: memref<64x64xf32, #tpu.memory_space<vmem>>, %arg12: memref<64x128xf32, #tpu.memory_space<vmem>>, %arg13: memref<64x1xf32, #tpu.memory_space<vmem>>) attributes {dimension_semantics = [#tpu.dimension_semantics<arbitrary>], iteration_bounds = array<i64: 10>, scalar_prefetch = 0 : i64, scratch_operands = 2 : i64, tpu.core_type = #tpu.core_type<tc>, window_params = [{transform_indices = @transform_0, window_bounds = array<i64: 1024, 128>}, {transform_indices = @transform_1, window_bounds = array<i64: 1024, 128>}, {transform_indices = @transform_2, window_bounds = array<i64: 1024, 128>}, {transform_indices = @transform_3, window_bounds = array<i64: 1024, 1>}, {pipeline_mode = #tpu.pipeline_mode<synchronous>, transform_indices = @transform_4, window_bounds = array<i64: 1, 128>}, {transform_indices = @transform_5, window_bounds = array<i64: 1, 1, 1024>}, {pipeline_mode = #tpu.pipeline_mode<synchronous>, transform_indices = @transform_6, window_bounds = array<i64: 128, 64>}, {pipeline_mode = #tpu.pipeline_mode<synchronous>, transform_indices = @transform_7, window_bounds = array<i64: 1, 64>}, {pipeline_mode = #tpu.pipeline_mode<synchronous>, transform_indices = @transform_8, window_bounds = array<i64: 64, 64>}, {pipeline_mode = #tpu.pipeline_mode<synchronous>, transform_indices = @transform_9, window_bounds = array<i64: 1, 64>}, {pipeline_mode = #tpu.pipeline_mode<synchronous>, transform_indices = @transform_10, window_bounds = array<i64: 64, 64>}]} {
    %eq3A = arith.constant 0 : i32
    %eq3A_0 = arith.cmpi eq, %arg0, %eq3A : i32
    %convert_element_type3A = arith.extui %eq3A_0 : i1 to i32
    %cond3A = arith.constant 0 : i32
    %cond3A_1 = arith.cmpi ne, %convert_element_type3A, %cond3A : i32
    scf.if %cond3A_1 {
      %broadcast_in_dim3A_52 = arith.constant 0.000000e+00 : f32
      %broadcast_in_dim3A_53 = vector.broadcast %broadcast_in_dim3A_52 : f32 to vector<64x128xf32>
      %swap3A_54 = arith.constant 0 : index
      %swap3A_55 = arith.constant 0 : index
      %swap3A_56 = vector.load %arg12[%swap3A_54, %swap3A_55] : memref<64x128xf32, #tpu.memory_space<vmem>>, vector<64x128xf32>
      tpu.vector_store %arg12[%swap3A_54, %swap3A_55], %broadcast_in_dim3A_53 {strides = array<i32>} : memref<64x128xf32, #tpu.memory_space<vmem>>, vector<64x128xf32>,
      %broadcast_in_dim3A_57 = arith.constant 0.000000e+00 : f32
      %broadcast_in_dim3A_58 = vector.broadcast %broadcast_in_dim3A_57 : f32 to vector<64x1xf32>
      %swap3A_59 = arith.constant 0 : index
      %swap3A_60 = arith.constant 0 : index
      %swap3A_61 = vector.load %arg13[%swap3A_59, %swap3A_60] : memref<64x1xf32, #tpu.memory_space<vmem>>, vector<64x1xf32>
      tpu.vector_store %arg13[%swap3A_59, %swap3A_60], %broadcast_in_dim3A_58 {strides = array<i32>} : memref<64x1xf32, #tpu.memory_space<vmem>>, vector<64x1xf32>,
    } else {
    }
    %get3A = arith.constant 0 : index
    %get3A_2 = arith.constant 0 : index
    %get3A_3 = vector.load %arg1[%get3A, %get3A_2] : memref<1024x128xf32, #tpu.memory_space<vmem>>, vector<1024x128xf32>
    %get3A_4 = arith.constant 0 : index
    %get3A_5 = arith.constant 0 : index
    %get3A_6 = vector.load %arg2[%get3A_4, %get3A_5] : memref<1024x128xf32, #tpu.memory_space<vmem>>, vector<1024x128xf32>
    %add3A = arith.addf %get3A_3, %get3A_6 : vector<1024x128xf32>
    %get3A_7 = arith.constant 0 : index
    %get3A_8 = arith.constant 0 : index
    %get3A_9 = vector.load %arg3[%get3A_7, %get3A_8] : memref<1024x128xf32, #tpu.memory_space<vmem>>, vector<1024x128xf32>
    %add3A_10 = arith.addf %add3A, %get3A_9 : vector<1024x128xf32>
    %get3A_11 = arith.constant 0 : index
    %get3A_12 = arith.constant 0 : index
    %get3A_13 = vector.load %arg4[%get3A_11, %get3A_12] : memref<1024x1xf32, #tpu.memory_space<vmem>>, vector<1024x1xf32>
    %mul3A = vector.broadcast %get3A_13 : vector<1024x1xf32> to vector<1024x128xf32>
    %mul3A_14 = arith.mulf %add3A_10, %mul3A : vector<1024x128xf32>
    %get3A_15 = arith.constant 0 : index
    %get3A_16 = arith.constant 0 : index
    %get3A_17 = vector.load %arg5[%get3A_15, %get3A_16] : memref<1x128xf32, #tpu.memory_space<vmem>>, vector<1x128xf32>
    %add3A_18 = vector.broadcast %get3A_17 : vector<1x128xf32> to vector<1024x128xf32>
    %add3A_19 = arith.addf %mul3A_14, %add3A_18 : vector<1024x128xf32>
    %max3A = arith.constant 0.000000e+00 : f32
    %max3A_20 = vector.broadcast %max3A : f32 to vector<1024x128xf32>
    %max3A_21 = arith.maximumf %add3A_19, %max3A_20 : vector<1024x128xf32>
    %get3A_22 = arith.constant 0 : index
    %get3A_23 = arith.constant 0 : index
    %get3A_24 = arith.constant 0 : index
    %get3A_25 = vector.load %arg6[%get3A_22, %get3A_23, %get3A_24] : memref<1x1x1024xf32, #tpu.memory_space<vmem>>, vector<1x1x1024xf32>
    %reshape3A = vector.shape_cast %get3A_25 : vector<1x1x1024xf32> to vector<1x1024xf32>
    %iota3A = tpu.iota {dimensions = array<i32: 0>} : vector<64x1024xi32>
    %convert_element_type3A_26 = arith.sitofp %iota3A : vector<64x1024xi32> to vector<64x1024xf32>
    %eq3A_27 = vector.broadcast %reshape3A : vector<1x1024xf32> to vector<64x1024xf32>
    %eq3A_28 = arith.cmpf oeq, %convert_element_type3A_26, %eq3A_27 : vector<64x1024xf32>
    %jit3A = arith.constant 1.000000e+00 : f32
    %jit3A_29 = arith.constant 0.000000e+00 : f32
    %broadcast_in_dim3A = vector.broadcast %jit3A : f32 to vector<64x1024xf32>
    %broadcast_in_dim3A_30 = vector.broadcast %jit3A_29 : f32 to vector<64x1024xf32>
    %select_n3A = arith.select %eq3A_28, %broadcast_in_dim3A, %broadcast_in_dim3A_30 : vector<64x1024xi1>, vector<64x1024xf32>
    %get3A_31 = arith.constant 0 : index
    %get3A_32 = arith.constant 0 : index
    %get3A_33 = vector.load %arg12[%get3A_31, %get3A_32] : memref<64x128xf32, #tpu.memory_space<vmem>>, vector<64x128xf32>
    %dot_general3A = arith.constant dense<0.000000e+00> : vector<64x128xf32>
    %dot_general3A_34 = tpu.matmul %select_n3A, %max3A_21, %dot_general3A {dimension_numbers = #tpu.dot_dimension_numbers<[1], [0], [0], [1], [0, 0, 1, 1], [], []>, transpose_lhs_hint = false} : vector<64x1024xf32>, vector<1024x128xf32>, vector<64x128xf32> -> vector<64x128xf32>
    %add3A_35 = arith.addf %get3A_33, %dot_general3A_34 : vector<64x128xf32>
    %swap3A = arith.constant 0 : index
    %swap3A_36 = arith.constant 0 : index
    %swap3A_37 = vector.load %arg12[%swap3A, %swap3A_36] : memref<64x128xf32, #tpu.memory_space<vmem>>, vector<64x128xf32>
    tpu.vector_store %arg12[%swap3A, %swap3A_36], %add3A_35 {strides = array<i32>} : memref<64x128xf32, #tpu.memory_space<vmem>>, vector<64x128xf32>,
    %get3A_38 = arith.constant 0 : index
    %get3A_39 = arith.constant 0 : index
    %get3A_40 = vector.load %arg13[%get3A_38, %get3A_39] : memref<64x1xf32, #tpu.memory_space<vmem>>, vector<64x1xf32>
    %reduce_sum3A = arith.constant dense<0.000000e+00> : vector<64xf32>
    %reduce_sum3A_41 = vector.multi_reduction <add>, %select_n3A, %reduce_sum3A [1] : vector<64x1024xf32> to vector<64xf32>
    %broadcast_in_dim3A_42 = vector.shape_cast %reduce_sum3A_41 : vector<64xf32> to vector<64x1xf32>
    %add3A_43 = arith.addf %get3A_40, %broadcast_in_dim3A_42 : vector<64x1xf32>
    %swap3A_44 = arith.constant 0 : index
    %swap3A_45 = arith.constant 0 : index
    %swap3A_46 = vector.load %arg13[%swap3A_44, %swap3A_45] : memref<64x1xf32, #tpu.memory_space<vmem>>, vector<64x1xf32>
    tpu.vector_store %arg13[%swap3A_44, %swap3A_45], %add3A_43 {strides = array<i32>} : memref<64x1xf32, #tpu.memory_space<vmem>>, vector<64x1xf32>,
    %eq3A_47 = arith.constant 9 : i32
    %eq3A_48 = arith.cmpi eq, %arg0, %eq3A_47 : i32
    %convert_element_type3A_49 = arith.extui %eq3A_48 : i1 to i32
    %cond3A_50 = arith.constant 0 : i32
    %cond3A_51 = arith.cmpi ne, %convert_element_type3A_49, %cond3A_50 : i32
    scf.if %cond3A_51 {
      %get3A_52 = arith.constant 0 : index
      %get3A_53 = arith.constant 0 : index
      %get3A_54 = vector.load %arg12[%get3A_52, %get3A_53] : memref<64x128xf32, #tpu.memory_space<vmem>>, vector<64x128xf32>
      %get3A_55 = arith.constant 0 : index
      %get3A_56 = arith.constant 0 : index
      %get3A_57 = vector.load %arg13[%get3A_55, %get3A_56] : memref<64x1xf32, #tpu.memory_space<vmem>>, vector<64x1xf32>
      %max3A_58 = arith.constant 1.000000e+00 : f32
      %max3A_59 = vector.broadcast %max3A_58 : f32 to vector<64x1xf32>
      %max3A_60 = arith.maximumf %get3A_57, %max3A_59 : vector<64x1xf32>
      %div3A = vector.broadcast %max3A_60 : vector<64x1xf32> to vector<64x128xf32>
      %div3A_61 = arith.divf %get3A_54, %div3A : vector<64x128xf32>
      %get3A_62 = arith.constant 0 : index
      %get3A_63 = arith.constant 0 : index
      %get3A_64 = vector.load %arg7[%get3A_62, %get3A_63] : memref<128x64xf32, #tpu.memory_space<vmem>>, vector<128x64xf32>
      %dot_general3A_65 = arith.constant dense<0.000000e+00> : vector<64x64xf32>
      %dot_general3A_66 = tpu.matmul %div3A_61, %get3A_64, %dot_general3A_65 {dimension_numbers = #tpu.dot_dimension_numbers<[1], [0], [0], [1], [0, 0, 1, 1], [], []>, transpose_lhs_hint = false} : vector<64x128xf32>, vector<128x64xf32>, vector<64x64xf32> -> vector<64x64xf32>
      %get3A_67 = arith.constant 0 : index
      %get3A_68 = arith.constant 0 : index
      %get3A_69 = vector.load %arg8[%get3A_67, %get3A_68] : memref<1x64xf32, #tpu.memory_space<vmem>>, vector<1x64xf32>
      %add3A_70 = vector.broadcast %get3A_69 : vector<1x64xf32> to vector<64x64xf32>
      %add3A_71 = arith.addf %dot_general3A_66, %add3A_70 : vector<64x64xf32>
      %max3A_72 = arith.constant 0.000000e+00 : f32
      %max3A_73 = vector.broadcast %max3A_72 : f32 to vector<64x64xf32>
      %max3A_74 = arith.maximumf %add3A_71, %max3A_73 : vector<64x64xf32>
      %get3A_75 = arith.constant 0 : index
      %get3A_76 = arith.constant 0 : index
      %get3A_77 = vector.load %arg9[%get3A_75, %get3A_76] : memref<64x64xf32, #tpu.memory_space<vmem>>, vector<64x64xf32>
      %dot_general3A_78 = arith.constant dense<0.000000e+00> : vector<64x64xf32>
      %dot_general3A_79 = tpu.matmul %max3A_74, %get3A_77, %dot_general3A_78 {dimension_numbers = #tpu.dot_dimension_numbers<[1], [0], [0], [1], [0, 0, 1, 1], [], []>, transpose_lhs_hint = false} : vector<64x64xf32>, vector<64x64xf32>, vector<64x64xf32> -> vector<64x64xf32>
      %get3A_80 = arith.constant 0 : index
      %get3A_81 = arith.constant 0 : index
      %get3A_82 = vector.load %arg10[%get3A_80, %get3A_81] : memref<1x64xf32, #tpu.memory_space<vmem>>, vector<1x64xf32>
      %add3A_83 = vector.broadcast %get3A_82 : vector<1x64xf32> to vector<64x64xf32>
      %add3A_84 = arith.addf %dot_general3A_79, %add3A_83 : vector<64x64xf32>
      %swap3A_85 = arith.constant 0 : index
      %swap3A_86 = arith.constant 0 : index
      %swap3A_87 = vector.load %arg11[%swap3A_85, %swap3A_86] : memref<64x64xf32, #tpu.memory_space<vmem>>, vector<64x64xf32>
      tpu.vector_store %arg11[%swap3A_85, %swap3A_86], %add3A_84 {strides = array<i32>} : memref<64x64xf32, #tpu.memory_space<vmem>>, vector<64x64xf32>,
    } else {
    }
    return
  }
  func.func @transform_0(%arg0: i32) -> (i32, i32) {
    %c0_i32 = arith.constant 0 : i32
    %c0_i32_0 = arith.constant 0 : i32
    return %arg0, %c0_i32 : i32, i32
  }
  func.func @transform_1(%arg0: i32) -> (i32, i32) {
    %c0_i32 = arith.constant 0 : i32
    %c0_i32_0 = arith.constant 0 : i32
    return %arg0, %c0_i32 : i32, i32
  }
  func.func @transform_2(%arg0: i32) -> (i32, i32) {
    %c0_i32 = arith.constant 0 : i32
    %c0_i32_0 = arith.constant 0 : i32
    return %arg0, %c0_i32 : i32, i32
  }
  func.func @transform_3(%arg0: i32) -> (i32, i32) {
    %c0_i32 = arith.constant 0 : i32
    %c0_i32_0 = arith.constant 0 : i32
    return %arg0, %c0_i32 : i32, i32
  }
  func.func @transform_4(%arg0: i32) -> (i32, i32) {
    %c0_i32 = arith.constant 0 : i32
    %c0_i32_0 = arith.constant 0 : i32
    %c0_i32_1 = arith.constant 0 : i32
    return %c0_i32, %c0_i32_0 : i32, i32
  }
  func.func @transform_5(%arg0: i32) -> (i32, i32, i32) {
    %c0_i32 = arith.constant 0 : i32
    %c0_i32_0 = arith.constant 0 : i32
    %c0_i32_1 = arith.constant 0 : i32
    return %arg0, %c0_i32, %c0_i32_0 : i32, i32, i32
  }
  func.func @transform_6(%arg0: i32) -> (i32, i32) {
    %c0_i32 = arith.constant 0 : i32
    %c0_i32_0 = arith.constant 0 : i32
    %c0_i32_1 = arith.constant 0 : i32
    return %c0_i32, %c0_i32_0 : i32, i32
  }
  func.func @transform_7(%arg0: i32) -> (i32, i32) {
    %c0_i32 = arith.constant 0 : i32
    %c0_i32_0 = arith.constant 0 : i32
    %c0_i32_1 = arith.constant 0 : i32
    return %c0_i32, %c0_i32_0 : i32, i32
  }
  func.func @transform_8(%arg0: i32) -> (i32, i32) {
    %c0_i32 = arith.constant 0 : i32
    %c0_i32_0 = arith.constant 0 : i32
    %c0_i32_1 = arith.constant 0 : i32
    return %c0_i32, %c0_i32_0 : i32, i32
  }
  func.func @transform_9(%arg0: i32) -> (i32, i32) {
    %c0_i32 = arith.constant 0 : i32
    %c0_i32_0 = arith.constant 0 : i32
    %c0_i32_1 = arith.constant 0 : i32
    return %c0_i32, %c0_i32_0 : i32, i32
  }
  func.func @transform_10(%arg0: i32) -> (i32, i32) {
    %c0_i32 = arith.constant 0 : i32
    %c0_i32_0 = arith.constant 0 : i32
    %c0_i32_1 = arith.constant 0 : i32
    return %c0_i32, %c0_i32_0 : i32, i32
  }
}

</mosaic_0001>

<sc_bundles>
// kernel: kernel.12.cloned.1.call-start
scs
__scs_entry_jumppad:
0x0: {  	(pc) =	sbr.rel $0x88, $3  }
0x1: {  	(tag) =	ssettag $0x0;
	lr =	simm.s32 $0x1  }
0x2: {  	[smem:$0x3F96] =	sst lr;
	_ =	strace $0xD0000000  }
0x3: {  	_ = 	snop  }
0x4: {  	_ = 	snop  }
0x5: {  	_ = 	snop  }
0x6: {  	_ = 	snop  }
0x7: {  	_ = 	snop  }
__scs_overlays_trampoline_lowered:
0x8: {  	[smem:$0x3FA5] =	sst s0  }
0x9: {  	[smem:$0x3FA6] =	sst s1  }
0xa: {  	[smem:$0x3FA7] =	sst s2  }
0xb: {  	[smem:$0x3FA8] =	sst s3  }
0xc: {  	[smem:$0x3FA9] =	sst s4  }
0xd: {  	[smem:$0x3FAA] =	sst s5  }
0xe: {  	[smem:$0x3FAB] =	sst s6  }
0xf: {  	[smem:$0x3FAC] =	sst s7  }
0x10: {  	[smem:$0x3FAD] =	sst s8  }
0x11: {  	[smem:$0x3FAE] =	sst s9;
	s0 =	simm.s32 @!p0 $0x0  }
0x12: {  	s1 =	sld [smem:$0x3F94];
	s0 =	simm.s32 @p0 $0x1  }
0x13: {  	[smem:$0x3FAF] =	sst s0;
	s0 =	simm.s32 @!p1 $0x0  }
0x14: {  	s2 =	sld [smem:$0x3F93];
	s0 =	simm.s32 @p1 $0x1  }
0x15: {  	[smem:$0x3FB0] =	sst s0;
	s0 =	simm.s32 @!p2 $0x0  }
0x16: {  	s3 =	sld [smem:$0x3FDB];
	s0 =	simm.s32 @p2 $0x1  }
0x17: {  	s4 =	simm.s32 $0x1BF5;
	[smem:$0x3FB2] =	sst s0  }
0x18: {  	s0 =	sld [smem:$0x3F95];
	_ =	swait.ge [sflag:s4], $0x0  }
0x19: {  	s7 =	sld [smem:$0x3F96]  }
0x1a: {  	s8 =	sadd.s32 $0xFFFFE003, lr  }
0x1b: {  	s9 =	sadd.s32 $0xFFFFFEF7, lr;
	s5 =	simm.s32 $0xFFFFFFFF;
	p2 =	slt.u32 s8, $0xFFFFF086  }
0x1c: {  	p1 =	slt.u32 s9, $0xF7A;
	s5 =	simm.s32 @!p2 $0x0  }
0x1d: {  	s5 =	simm.s32 @p1 $0x1;
	p0 =	seq.s32 s7, s2  }
0x1e: {  	s7 =	smul.u32 @!p0 $0xF7A, s2;
	p2 =	seq.s32 @!p0 s5, $0x0  }
0x1f: {  	s9 =	smul.u32 $0xF7A, s1;
	s8 =	simm.s32 @!p0 $0x1BF5;
	p2 =	por !p2, p0  }
0x20: {  	[sflag:s8] =	ssyncset.s32 @!p0 $0xFFFFF086;
	s6 =	sadd.s32 @!p0 s3, s7;
	s7 =	simm.s32 @!p0 $0x108  }
0x21: {  	s3 =	sadd.s32 s3, s9;
	s6 =	sadd.s32 @!p0 $0x88, s6;
	s7 =	simm.s32 @p2 $0x1082  }
0x22: {  	[simem:s7], [sflag:s8] =	dma.local @!p0 [hbm:s6], $0xF7A  }
0x23: {  	s9 =	sor.u32 $0xD0000000, s2;
	s6 =	simm.s32 $0x108;
	_ =	swait.ge @!p0 [sflag:s8], $0x0  }
0x24: {  	s3 =	sadd.s32 $0x88, s3;
	s6 =	simm.s32 @!p1 $0x1082;
	[sflag:s4] =	ssyncset.s32 $0xFFFFF086  }
0x25: {  	[simem:s6], [sflag:s4] =	dma.local [hbm:s3], $0xF7A  }
0x26: {  	[smem:$0x3F96] =	sst s1;
	(tag) =	ssettag s2;
	_ =	strace s9  }
0x27: {  	s1 =	sld [smem:$0x3FA6]  }
0x28: {  	s2 =	sld [smem:$0x3FA7]  }
0x29: {  	s4 =	sld [smem:$0x3FA9]  }
0x2a: {  	p0 =	seq.s32 s5, $0x0;
	s5 =	sld [smem:$0x3FAA]  }
0x2b: {  	s6 =	sld [smem:$0x3FAB]  }
0x2c: {  	s7 =	sld [smem:$0x3FAC]  }
0x2d: {  	s3 =	simm.s32 $0x108;
	s8 =	sld [smem:$0x3FAD]  }
0x2e: {  	s3 =	simm.s32 @!p0 $0x1082;
	s9 =	sld [smem:$0x3FAE]  }
0x2f: {  	lr =	sadd.s32 s0, s3;
	s0 =	sld [smem:$0x3FA5]  }
0x30: {  	s3 =	sld [smem:$0x3FA8]  }
0x31: {  	[smem:$0x3FB1] =	sst s10  }
0x32: {  	s10 =	sld [smem:$0x3FAF];
	_ =	sdelay $0x3  }
0x33: {  	p0 =	seq.s32 s10, $0x1;
	s10 =	sld [smem:$0x3FB1];
	_ =	sdelay $0x3  }
0x34: {  	[smem:$0x3FB1] =	sst s10  }
0x35: {  	s10 =	sld [smem:$0x3FB0];
	_ =	sdelay $0x3  }
0x36: {  	p1 =	seq.s32 s10, $0x1;
	s10 =	sld [smem:$0x3FB1];
	_ =	sdelay $0x3  }
0x37: {  	[smem:$0x3FB1] =	sst s10  }
0x38: {  	s10 =	sld [smem:$0x3FB2]  }
0x39: {  	_ = 	snop;
	(pc) =	sbr.ind lr, $3  }
0x3a: {  	_ = 	snop  }
0x3b: {  	_ = 	snop  }
0x3c: {  	p2 =	seq.s32 s10, $0x1;
	s10 =	sld [smem:$0x3FB1]  }
0x3d: {  	_ =	shalt  }
0x3e: {  	_ =	shalt  }
0x3f: {  	_ =	shalt  }
0x40: {  	_ =	shalt  }
0x41: {  	_ =	shalt  }
0x42: {  	_ =	shalt  }
0x43: {  	_ =	shalt  }
0x44: {  	_ =	shalt  }
0x45: {  	_ =	shalt  }
0x46: {  	_ =	shalt  }
0x47: {  	_ =	shalt  }
0x48: {  	_ =	shalt  }
0x49: {  	_ =	shalt  }
0x4a: {  	_ =	shalt  }
0x4b: {  	_ =	shalt  }
0x4c: {  	_ =	shalt  }
0x4d: {  	_ =	shalt  }
0x4e: {  	_ =	shalt  }
0x4f: {  	_ =	shalt  }
0x50: {  	_ =	shalt  }
0x51: {  	_ =	shalt  }
0x52: {  	_ =	shalt  }
0x53: {  	_ =	shalt  }
0x54: {  	_ =	shalt  }
0x55: {  	_ =	shalt  }
0x56: {  	_ =	shalt  }
0x57: {  	_ =	shalt  }
0x58: {  	_ =	shalt  }
0x59: {  	_ =	shalt  }
0x5a: {  	_ =	shalt  }
0x5b: {  	_ =	shalt  }
0x5c: {  	_ =	shalt  }
0x5d: {  	_ =	shalt  }
0x5e: {  	_ =	shalt  }
0x5f: {  	_ =	shalt  }
0x60: {  	_ =	shalt  }
0x61: {  	_ =	shalt  }
0x62: {  	_ =	shalt  }
0x63: {  	_ =	shalt  }
0x64: {  	_ =	shalt  }
0x65: {  	_ =	shalt  }
0x66: {  	_ =	shalt  }
0x67: {  	_ =	shalt  }
0x68: {  	_ =	shalt  }
0x69: {  	_ =	shalt  }
0x6a: {  	_ =	shalt  }
0x6b: {  	_ =	shalt  }
0x6c: {  	_ =	shalt  }
0x6d: {  	_ =	shalt  }
0x6e: {  	_ =	shalt  }
0x6f: {  	_ =	shalt  }
0x70: {  	_ =	shalt  }
0x71: {  	_ =	shalt  }
0x72: {  	_ =	shalt  }
0x73: {  	_ =	shalt  }
0x74: {  	_ =	shalt  }
0x75: {  	_ =	shalt  }
0x76: {  	_ =	shalt  }
0x77: {  	_ =	shalt  }
0x78: {  	_ =	shalt  }
0x79: {  	_ =	shalt  }
0x7a: {  	_ =	shalt  }
0x7b: {  	_ =	shalt  }
0x7c: {  	_ =	shalt  }
0x7d: {  	_ =	shalt  }
0x7e: {  	_ =	shalt  }
0x7f: {  	_ =	shalt  }
0x80: {  	_ =	shalt  }
0x81: {  	_ =	shalt  }
0x82: {  	_ =	shalt  }
0x83: {  	_ =	shalt  }
0x84: {  	_ =	shalt  }
0x85: {  	_ =	shalt  }
0x86: {  	_ =	shalt  }
0x87: {  	_ =	shalt  }
.Lfunc_end0:
.L_simem_size_0:
called_computation.1_lowered:
.L_overlay_start_0:
0x88: {  	s2 =	sld [smem:$0x3FD9]  }
0x89: {  	s3 =	sld [smem:$0x3FFE];
	_ =	sdelay $0x1  }
0x8a: {  	s1 =	srdreg.scid  }
0x8b: {  	s0 =	sand.u32 $0x1, s1  }
0x8c: {  	s16 =	sshll.u32 s0, $0xA;
	s2 =	sadd.s32 s3, s2  }
0x8d: {  	s2 =	sadd.s32 s2, s16  }
0x8e: {  	[smem:$0x3FBD] =	sst s2  }
0x8f: {  	_ = 	snop  }
0x90: {  	(tm) =	ssettm $0x1  }
0x91: {  	s17 =	sld [smem:$0x3FFB];
	_ =	sdelay $0x3  }
0x92: {  	_ =	strace s17  }
0x93: {  	s2 =	sld [smem:$0x3FFC];
	_ =	sdelay $0x3  }
0x94: {  	_ =	strace s2  }
0x95: {  	s2 =	sld [smem:$0x3FFD];
	_ =	sdelay $0x3  }
0x96: {  	_ =	strace s2  }
0x97: {  	_ =	strace $0x8FFFFFFF  }
0x98: {  	s18 =	sld [smem:$0x3FDB];
	_ =	sdelay $0x1  }
0x99: {  	s19 =	simm.s32 $_scs_section_size  }
0x9a: {  	s4 =	simm.s32 $_size__tile_overlayer_lowered;
	s5 =	simm.s32 $_tile_overlayer_lowered  }
0x9b: {  	s22 =	simm.s32 $0x1BFF;
	s21 =	sshll.u32 s5, $0x1;
	s2 =	sadd.s32 s19, s18  }
0x9c: {  	s6 =	simm.s32 $0x0;
	s20 =	sshll.u32 s4, $0x1;
	s4 =	sadd.s32 s21, s2  }
0x9d: {  	[timem:s6], [sflag:s22] =	dma.local [hbm:s4], s20  }
0x9e: {  	_ =	swait.ge [sflag:s22], s20  }
0x9f: {  	s3 =	ssub.s32 $0x0, s20;
	[sflag:s22] =	ssyncset.done $0x0  }
0xa0: {  	[sflag:s22] =	ssyncadd.s32 s3;
	_ =	sdelay $0x1  }
0xa1: {  	s23 =	simm.s32 $0x1B8B  }
0xa2: {  	_ =	swait.ge [sflag:s23], $0x1  }
0xa3: {  	[sflag:s23] =	ssyncset.done $0x0  }
0xa4: {  	s25 =	simm.s32 $0x1B8E;
	s24 =	sld [smem:$0x3FFE];
	[sflag:s23] =	ssyncadd.s32 $0xFFFFFFFF  }
0xa5: {  	s26 =	simm.s32 $execute0_lowered;
	[smem:$0x3FD2] =	sst s25  }
0xa6: {  	s4 =	sshll.u32 s26, $0x1;
	_ =	strace $0x80000049;
	[dreg:$0x1] =	wrdreg $0xFFFFFFFF  }
0xa7: {  	s28 =	simm.s32 $_size_execute0_lowered;
	s2 =	sadd.s32 s2, s4;
	[dreg:$0x0] =	wrdreg $0x0  }
0xa8: {  	s4 =	sshll.u32 s28, $0x1;
	[dreg:$0x2] =	wrdreg s2  }
0xa9: {  	[dreg:$0x3] =	wrdreg s4  }
0xaa: {  	[dreg:$0x4] =	wrdreg $0xC0  }
0xab: {  	_ =	task [dreg:s6], $0x5FFFF  }
0xac: {  	[dreg:$0x1] =	wrdreg $0xFFFFFFFF  }
0xad: {  	[dreg:$0x0] =	wrdreg $0x60  }
0xae: {  	[dreg:$0x2] =	wrdreg s24  }
0xaf: {  	[dreg:$0x3] =	wrdreg $0x82000  }
0xb0: {  	[dreg:$0x4] =	wrdreg $0x9  }
0xb1: {  	_ =	task.clear_ibuf [dreg:s6], $0x5FFFF;
	_ =	strace $0x90000049  }
0xb2: {  	s29 =	simm.s32 $0x9;
	_ =	strace $0x8000004B  }
0xb3: {  	_ =	swait.ge [sflag:s29], $0x1  }
0xb4: {  	[sflag:s29] =	ssyncadd.s32 $0xFFFFFFFF  }
0xb5: {  	_ =	strace $0x9000004B  }
0xb6: {  	_ =	sfence  }
0xb7: {  	s30 =	sld [smem:$0x0];
	_ =	sdelay $0x2  }
0xb8: {  	s31 =	sshll.u32 s1, $0xD;
	s1 =	sshrl.u32 s1, $0x2  }
0xb9: {  	s3 =	sand.u32 $0x4000, s31;
	s1 =	sadd.s32 s1, s30  }
0xba: {  	s0 =	sor.u32 s3, s0;
	s1 =	sshll.u32 s1, $0x11  }
0xbb: {  	s0 =	sor.u32 s1, s0  }
0xbc: {  	s0 =	sadd.s32 $0x8F2B, s0  }
0xbd: {  	[sflag:s0] =	ssyncadd.remote.s32 $0x1  }
0xbe: {  	_ =	sfence.sel $0xFFFF  }
0xbf: {  	[dreg:$0x0] =	wrdreg $0xFFFFFFFF;
	(pc) =	sbr.abs _section_cstart, $3  }
0xc0: {  	[dreg:$0x1] =	wrdreg $0xFFFFFFFF  }
0xc1: {  	_ =	task.clear_ibuf [dreg:s6], $0x2FFFF;
	_ =	strace $0x9FFFFFFF  }
0xc2: {  	(tm) =	ssettm $0x7FFFFFFF  }
0xc3: {  	_ =	shalt  }
tec
execute0_lowered:
.L_overlay_start_1:
0x0: {  	(tag) =	ssettag $0x1  }
0x1: {  	s0 =	rddreg [dreg:$0x0]  }
0x2: {  	s2 =	rddreg [dreg:$0x1]  }
0x3: {  	s3 =	simm.s32 $0x0;
	s18 =	stileid.u32;
	s1 =	srdreg.scid  }
0x4: {  	s15 =	simm.s32 $0x100;
	s16 =	simm.s32 $0x80;
	s17 =	simm.s32 $0x1  }
0x5: {  	s21 =	simm.s32 $0x7;
	s22 =	simm.s32 $0x2;
	s23 =	simm.s32 $0x4200  }
0x6: {  	s24 =	simm.s32 $0x3;
	s28 =	simm.s32 $0x5;
	s29 =	simm.s32 $0x6  }
0x7: {  	s30 =	simm.s32 $0x0;
	[smem:$0x7FF] =	sst s3;
	s7 =	smul.u32 $0x14000, s18  }
0x8: {  	s1 =	sand.u32 $0x1, s1;
	s4 =	sadd.s32 $0x18600, s0;
	s5 =	sadd.s32 $0x4600, s0  }
0x9: {  	s9 =	sshll.u32 s18, $0x1;
	s6 =	sadd.s32 $0xE600, s0;
	s11 =	smul.u32 $0x50000, s18  }
0xa: {  	s31 =	sshll.u32 s18, $0x6;
	s18 =	simm.s32 $0x200;
	_ =	strace $0x8000004A  }
0xb: {  	s8 =	smul.u32 $0x140000, s1;
	s9 =	sor.u32 s1, s9;
	s1 =	ssub.s32 $0x2, s1  }
0xc: {  	s19 =	sor.u32 $0x1C07, s31;
	s10 =	sshrl.u32 s7, $0x3;
	s25 =	sshrl.u32 s1, $0x1  }
0xd: {  	s14 =	sshrl.u32 s11, $0x2;
	s8 =	sadd.s32 s7, s8;
	s7 =	smul.u32 $0x2800, s9  }
0xe: {  	s12 =	sadd.s32 s10, s0;
	s1 =	ssub.s32 s1, s25;
	s20 =	sadd.s32 s14, s2  }
0xf: {  	s25 =	simm.s32 $0x4;
	s8 =	sshrl.u32 s8, $0x3;
	s12 =	sadd.s32 $0x68600, s12  }
0x10: {  	s14 =	smax.u32 s1, $0x1;
	s20 =	sshrl.u32 s20, $0x3;
	s9 =	sshrl.u32 s7, $0x3  }
0x11: {  	s0 =	sadd.s32 s8, s0;
	s26 =	sadd.s32 s5, s9;
	s13 =	sor.u32 $0x10, s9  }
0x12: {  	s9 =	sadd.s32 s6, s9;
	[dreg:$0x3] =	wrdreg s26;
	s10 =	sadd.s32 s5, s13  }
0x13: {  	s11 =	sadd.s32 s6, s13;
	s13 =	sadd.s32 $0x90600, s0;
	s26 =	simm.s32 $0x180  }
.LBB2_1:
0x14: {  	s0 =	rddreg [dreg:$0x3]  }
0x15: {  	[tilespmem:s3], [sflag:$0x1] =	stream.linear.gather [hbm4b:s0+s3], $0x80, $0x38;
	[tilespmem:$0x1C200] =	vst v63  }
0x16: {  	_ = 	snop  }
0x17: {  	[tilespmem:s15], [sflag:$0x1] =	stream.linear.gather [hbm4b:s9+s3], $0x80, $0x38;
	[tilespmem:$0x1C200] =	vst v63  }
0x18: {  	_ = 	snop  }
0x19: {  	[tilespmem:s16], [sflag:$0x2] =	stream.linear.gather [hbm4b:s10+s3], $0x80, $0x38;
	[tilespmem:$0x1C200] =	vst v63  }
0x1a: {  	_ = 	snop  }
0x1b: {  	[tilespmem:s26], [sflag:$0x2] =	stream.linear.gather [hbm4b:s11+s3], $0x80, $0x38;
	[tilespmem:$0x1C200] =	vst v63  }
0x1c: {  	_ =	swait.ge [sflag:s17], $0x80  }
0x1d: {  	[sflag:s17] =	ssyncset.done $0x0  }
0x1e: {  	[sflag:s17] =	ssyncadd.s32 $0xFFFFFF80  }
0x1f: {  	_ =	swait.ge [sflag:s17], $0x80  }
0x20: {  	[sflag:s17] =	ssyncset.done $0x0  }
0x21: {  	[sflag:s17] =	ssyncadd.s32 $0xFFFFFF80  }
0x22: {  	[tilespmem:s18], [sflag:$0x3] =	stream.indirect.gather [hbm4b:s4+s16], $0x80, s3, s16, $0xb8;
	[tilespmem:$0x1C200] =	vst v63  }
0x23: {  	[spmem:s20], [sflag:s19] =	dma.local [hbm:s12], $0x2800  }
0x24: {  	_ =	swait.ge [sflag:s21], $0x2800  }
0x25: {  	[sflag:s21] =	ssyncset.done $0x0  }
0x26: {  	[sflag:s21] =	ssyncadd.s32 $0xFFFFD800  }
0x27: {  	[bflag:$0x0] =	sbarrier.arrive $0xFFFF  }
0x28: {  	_ =	swait.ge [sflag:s22], $0x80  }
0x29: {  	[sflag:s22] =	ssyncset.done $0x0  }
0x2a: {  	[sflag:s22] =	ssyncadd.s32 $0xFFFFFF80  }
0x2b: {  	_ =	swait.ge [sflag:s22], $0x80  }
0x2c: {  	[sflag:s22] =	ssyncset.done $0x0  }
0x2d: {  	[sflag:s22] =	ssyncadd.s32 $0xFFFFFF80  }
0x2e: {  	[tilespmem:s23], [sflag:$0x4] =	stream.indirect.gather [hbm4b:s4+s16], $0x80, s16, s16, $0xb8;
	[tilespmem:$0x1C200] =	vst v63  }
0x2f: {  	_ =	swait.ge [sflag:s24], $0x4000  }
0x30: {  	[sflag:s24] =	ssyncset.done $0x0  }
0x31: {  	[sflag:s24] =	ssyncadd.s32 $0xFFFFC000  }
0x32: {  	[spmem:s2] =	stream.indirect.scatter.add.f32 [tilespmem:s18], [sflag:$0x5], $0x80, s15, s16, $0xb8;
	[tilespmem:$0x1C200] =	vst v63  }
0x33: {  	s8 =	simm.s32 $0x100;
	_ =	swait.ge [sflag:s25], $0x4000  }
0x34: {  	s1 =	sand.u32 $0x7C00, s8;
	[sflag:s25] =	ssyncset.done $0x0  }
0x35: {  	s0 =	sand.u32 $0x300, s8;
	s1 =	sadd.s32 s7, s1;
	[sflag:s25] =	ssyncadd.s32 $0xFFFFC000  }
0x36: {  	[spmem:s2] =	stream.indirect.scatter.add.f32 [tilespmem:s23], [sflag:$0x6], $0x80, s26, s16, $0xb8;
	[tilespmem:$0x1C200] =	vst v63  }
0x37: {  	s0 =	sor.u32 s0, s1;
	_ =	swait.ge [sflag:s28], $0x4000  }
0x38: {  	s0 =	sshrl.u32 s0, $0x3;
	[sflag:s28] =	ssyncset.done $0x0  }
0x39: {  	s8 =	sadd.s32 s5, s0;
	[sflag:s28] =	ssyncadd.s32 $0xFFFFC000  }
0x3a: {  	[tilespmem:s3], [sflag:$0x1] =	stream.linear.gather [hbm4b:s8+s3], $0x80, $0x38;
	[tilespmem:$0x1C200] =	vst v63  }
0x3b: {  	s0 =	sadd.s32 s6, s0  }
0x3c: {  	[tilespmem:s15], [sflag:$0x1] =	stream.linear.gather [hbm4b:s0+s3], $0x80, $0x38;
	[tilespmem:$0x1C200] =	vst v63  }
0x3d: {  	_ =	swait.ge [sflag:s17], $0x80  }
0x3e: {  	[sflag:s17] =	ssyncset.done $0x0  }
0x3f: {  	[sflag:s17] =	ssyncadd.s32 $0xFFFFFF80  }
0x40: {  	_ =	swait.ge [sflag:s17], $0x80  }
0x41: {  	s1 =	sand.u32 $0x7C00, s26;
	[sflag:s17] =	ssyncset.done $0x0  }
0x42: {  	s8 =	sand.u32 $0x380, s26;
	s0 =	sadd.s32 s7, s1;
	[sflag:s17] =	ssyncadd.s32 $0xFFFFFF80  }
0x43: {  	[tilespmem:s18], [sflag:$0x3] =	stream.indirect.gather [hbm4b:s4+s16], $0x80, s3, s16, $0xb8;
	[tilespmem:$0x1C200] =	vst v63  }
0x44: {  	s0 =	sor.u32 s8, s0;
	_ =	swait.ge [sflag:s29], $0x4000  }
0x45: {  	s31 =	simm.s32 $0x280;
	s0 =	sshrl.u32 s0, $0x3;
	[sflag:s29] =	ssyncset.done $0x0  }
0x46: {  	s8 =	sadd.s32 s5, s0;
	s1 =	sadd.s32 s6, s0;
	[sflag:s29] =	ssyncadd.s32 $0xFFFFC000  }
0x47: {  	[tilespmem:s16], [sflag:$0x2] =	stream.linear.gather [hbm4b:s8+s3], $0x80, $0x38;
	[tilespmem:$0x1C200] =	vst v63  }
.LBB2_2:
0x48: {  	p0 =	sne.s32 s31, $0x2780;
	s0 =	smov.u32 s31;
	s31 =	sadd.s32 $0x100, s31  }
0x49: {  	[tilespmem:s26], [sflag:$0x2] =	stream.linear.gather [hbm4b:s1+s3], $0x80, $0x38;
	[tilespmem:$0x1C200] =	vst v63  }
0x4a: {  	_ =	swait.ge [sflag:s22], $0x80  }
0x4b: {  	[sflag:s22] =	ssyncset.done $0x0  }
0x4c: {  	[sflag:s22] =	ssyncadd.s32 $0xFFFFFF80  }
0x4d: {  	_ =	swait.ge [sflag:s22], $0x80  }
0x4e: {  	[sflag:s22] =	ssyncset.done $0x0  }
0x4f: {  	[sflag:s22] =	ssyncadd.s32 $0xFFFFFF80  }
0x50: {  	[tilespmem:s23], [sflag:$0x4] =	stream.indirect.gather [hbm4b:s4+s16], $0x80, s16, s16, $0xb8;
	[tilespmem:$0x1C200] =	vst v63  }
0x51: {  	_ =	swait.ge [sflag:s24], $0x4000  }
0x52: {  	[sflag:s24] =	ssyncset.done $0x0  }
0x53: {  	[sflag:s24] =	ssyncadd.s32 $0xFFFFC000  }
0x54: {  	[spmem:s2] =	stream.indirect.scatter.add.f32 [tilespmem:s18], [sflag:$0x5], $0x80, s15, s16, $0xb8;
	[tilespmem:$0x1C200] =	vst v63  }
0x55: {  	_ =	swait.ge [sflag:s25], $0x4000  }
0x56: {  	s1 =	sadd.s32 $0xFFFFFF80, s0;
	[sflag:s25] =	ssyncset.done $0x0  }
0x57: {  	s8 =	sand.u32 $0x7C00, s1;
	s1 =	sand.u32 $0x300, s1;
	[sflag:s25] =	ssyncadd.s32 $0xFFFFC000  }
0x58: {  	[spmem:s2] =	stream.indirect.scatter.add.f32 [tilespmem:s23], [sflag:$0x6], $0x80, s26, s16, $0xb8;
	[tilespmem:$0x1C200] =	vst v63  }
0x59: {  	s8 =	sadd.s32 s7, s8;
	_ =	swait.ge [sflag:s28], $0x4000  }
0x5a: {  	s1 =	sor.u32 s1, s8;
	[sflag:s28] =	ssyncset.done $0x0  }
0x5b: {  	s1 =	sshrl.u32 s1, $0x3;
	[sflag:s28] =	ssyncadd.s32 $0xFFFFC000  }
0x5c: {  	s8 =	sadd.s32 s5, s1;
	s1 =	sadd.s32 s6, s1  }
0x5d: {  	[tilespmem:s3], [sflag:$0x1] =	stream.linear.gather [hbm4b:s8+s3], $0x80, $0x38;
	[tilespmem:$0x1C200] =	vst v63  }
0x5e: {  	_ = 	snop  }
0x5f: {  	[tilespmem:s15], [sflag:$0x1] =	stream.linear.gather [hbm4b:s1+s3], $0x80, $0x38;
	[tilespmem:$0x1C200] =	vst v63  }
0x60: {  	_ =	swait.ge [sflag:s17], $0x80  }
0x61: {  	[sflag:s17] =	ssyncset.done $0x0  }
0x62: {  	[sflag:s17] =	ssyncadd.s32 $0xFFFFFF80  }
0x63: {  	_ =	swait.ge [sflag:s17], $0x80  }
0x64: {  	s1 =	sand.u32 $0x7C00, s0;
	[sflag:s17] =	ssyncset.done $0x0  }
0x65: {  	s0 =	sand.u32 $0x380, s0;
	s1 =	sadd.s32 s7, s1;
	[sflag:s17] =	ssyncadd.s32 $0xFFFFFF80  }
0x66: {  	[tilespmem:s18], [sflag:$0x3] =	stream.indirect.gather [hbm4b:s4+s16], $0x80, s3, s16, $0xb8;
	[tilespmem:$0x1C200] =	vst v63  }
.Ltmp0:
0x67: {  	_ = 	snop;
	(pc) =	sbr.rel @p0 .LBB2_2-.Ltmp0, $4  }
0x68: {  	s0 =	sor.u32 s0, s1;
	_ =	swait.ge [sflag:s29], $0x4000  }
0x69: {  	s0 =	sshrl.u32 s0, $0x3;
	[sflag:s29] =	ssyncset.done $0x0  }
0x6a: {  	s8 =	sadd.s32 s5, s0;
	s1 =	sadd.s32 s6, s0;
	[sflag:s29] =	ssyncadd.s32 $0xFFFFC000  }
0x6b: {  	[tilespmem:s16], [sflag:$0x2] =	stream.linear.gather [hbm4b:s8+s3], $0x80, $0x38;
	[tilespmem:$0x1C200] =	vst v63  }
0x6c: {  	[tilespmem:s26], [sflag:$0x2] =	stream.linear.gather [hbm4b:s1+s3], $0x80, $0x38;
	[tilespmem:$0x1C200] =	vst v63  }
0x6d: {  	_ =	swait.ge [sflag:s22], $0x80  }
0x6e: {  	[sflag:s22] =	ssyncset.done $0x0  }
0x6f: {  	[sflag:s22] =	ssyncadd.s32 $0xFFFFFF80  }
0x70: {  	_ =	swait.ge [sflag:s22], $0x80  }
0x71: {  	[sflag:s22] =	ssyncset.done $0x0  }
0x72: {  	[sflag:s22] =	ssyncadd.s32 $0xFFFFFF80  }
0x73: {  	[tilespmem:s23], [sflag:$0x4] =	stream.indirect.gather [hbm4b:s4+s16], $0x80, s16, s16, $0xb8;
	[tilespmem:$0x1C200] =	vst v63  }
0x74: {  	_ =	swait.ge [sflag:s24], $0x4000  }
0x75: {  	[sflag:s24] =	ssyncset.done $0x0  }
0x76: {  	[sflag:s24] =	ssyncadd.s32 $0xFFFFC000  }
0x77: {  	[spmem:s2] =	stream.indirect.scatter.add.f32 [tilespmem:s18], [sflag:$0x5], $0x80, s15, s16, $0xb8;
	[tilespmem:$0x1C200] =	vst v63  }
0x78: {  	_ =	swait.ge [sflag:s25], $0x4000  }
0x79: {  	[sflag:s25] =	ssyncset.done $0x0  }
0x7a: {  	[sflag:s25] =	ssyncadd.s32 $0xFFFFC000  }
0x7b: {  	[spmem:s2] =	stream.indirect.scatter.add.f32 [tilespmem:s23], [sflag:$0x6], $0x80, s26, s16, $0xb8;
	[tilespmem:$0x1C200] =	vst v63  }
0x7c: {  	_ =	swait.ge [sflag:s28], $0x4000  }
0x7d: {  	[sflag:s28] =	ssyncset.done $0x0  }
0x7e: {  	[sflag:s28] =	ssyncadd.s32 $0xFFFFC000  }
0x7f: {  	_ =	swait.ge [sflag:s29], $0x4000  }
0x80: {  	s30 =	sadd.s32 $0x1, s30;
	[sflag:s29] =	ssyncset.done $0x0  }
0x81: {  	p0 =	sne.s32 s30, s14;
	[sflag:s29] =	ssyncadd.s32 $0xFFFFC000  }
.Ltmp1:
0x82: {  	[bflag:$0x0] =	sbarrier.arrive $0xFFFF;
	(pc) =	sbr.rel @p0 .LBB2_1-.Ltmp1, $4  }
0x83: {  	[hbm:s13], [sflag:s19] =	dma.local [spmem:s20], $0x2800  }
0x84: {  	_ =	swait.ge [sflag:s21], $0x2800  }
0x85: {  	[sflag:s21] =	ssyncset.done $0x0  }
0x86: {  	[sflag:s21] =	ssyncadd.s32 $0xFFFFD800  }
0x87: {  	_ =	sfence.sel $0x180000  }
0x88: {  	[bflag:$0x0] =	sbarrier.arrive $0xFFFF  }
0x89: {  	_ =	strace $0x9000004A  }
0x8a: {  	s0 =	stileid.u32;
	[bflag:$0x2] =	sbarrier.arrive $0xFFFF  }
0x8b: {  	p0 =	sne.s32 s0, $0x0;
	s0 =	rddreg [dreg:$0x2]  }
0x8c: {  	s0 =	sadd.s32 @!p0 $0x100000, s0  }
0x8d: {  	[sflag:s0] =	ssyncadd.tile.s32 @!p0 $0x1;
	_ =	shalt  }
.Lfunc_end2:
_tile_overlayer_lowered:
.L_overlay_start_2:
0x8e: {  	(tag) =	ssettag $0x2  }
0x8f: {  	s0 =	rddreg [dreg:$0x0];
	s2 =	stileid.u32  }
0x90: {  	s1 =	rddreg [dreg:$0x1];
	p0 =	sne.s32 s2, $0x0  }
0x91: {  	s3 =	rddreg [dreg:$0x2];
	[bflag:$0x3] =	sbarrier.arrive $0xFFFF;
	s2 =	simm.s32 @!p0 $0x1C07  }
0x92: {  	[timem:s3], [sflag:s2] =	dma.local @!p0 [hbm:s0], s1  }
0x93: {  	s0 =	simm.s32 @!p0 $0x7  }
0x94: {  	_ =	swait.ge @!p0 [sflag:s0], s1  }
0x95: {  	s1 =	ssub.s32 @!p0 $0x0, s1;
	[sflag:s0] =	ssyncset.done @!p0 $0x0  }
0x96: {  	[sflag:s0] =	ssyncadd.s32 @!p0 s1  }
0x97: {  	[bflag:$0x3] =	sbarrier.arrive $0xFFFF  }
0x98: {  	_ =	shalt  }

// kernel: kernel.15.cloned.1.call-start
scs
__scs_entry_jumppad:
0x0: {  	(pc) =	sbr.rel $0x88, $3  }
0x1: {  	(tag) =	ssettag $0x0;
	lr =	simm.s32 $0x1  }
0x2: {  	[smem:$0x3F96] =	sst lr;
	_ =	strace $0xD0000000  }
0x3: {  	_ = 	snop  }
0x4: {  	_ = 	snop  }
0x5: {  	_ = 	snop  }
0x6: {  	_ = 	snop  }
0x7: {  	_ = 	snop  }
__scs_overlays_trampoline_lowered:
0x8: {  	[smem:$0x3FA5] =	sst s0  }
0x9: {  	[smem:$0x3FA6] =	sst s1  }
0xa: {  	[smem:$0x3FA7] =	sst s2  }
0xb: {  	[smem:$0x3FA8] =	sst s3  }
0xc: {  	[smem:$0x3FA9] =	sst s4  }
0xd: {  	[smem:$0x3FAA] =	sst s5  }
0xe: {  	[smem:$0x3FAB] =	sst s6  }
0xf: {  	[smem:$0x3FAC] =	sst s7  }
0x10: {  	[smem:$0x3FAD] =	sst s8  }
0x11: {  	[smem:$0x3FAE] =	sst s9;
	s0 =	simm.s32 @!p0 $0x0  }
0x12: {  	s1 =	sld [smem:$0x3F94];
	s0 =	simm.s32 @p0 $0x1  }
0x13: {  	[smem:$0x3FAF] =	sst s0;
	s0 =	simm.s32 @!p1 $0x0  }
0x14: {  	s2 =	sld [smem:$0x3F93];
	s0 =	simm.s32 @p1 $0x1  }
0x15: {  	[smem:$0x3FB0] =	sst s0;
	s0 =	simm.s32 @!p2 $0x0  }
0x16: {  	s3 =	sld [smem:$0x3FDB];
	s0 =	simm.s32 @p2 $0x1  }
0x17: {  	s4 =	simm.s32 $0x1BF5;
	[smem:$0x3FB2] =	sst s0  }
0x18: {  	s0 =	sld [smem:$0x3F95];
	_ =	swait.ge [sflag:s4], $0x0  }
0x19: {  	s7 =	sld [smem:$0x3F96]  }
0x1a: {  	s8 =	sadd.s32 $0xFFFFE003, lr  }
0x1b: {  	s9 =	sadd.s32 $0xFFFFFEF7, lr;
	s5 =	simm.s32 $0xFFFFFFFF;
	p2 =	slt.u32 s8, $0xFFFFF086  }
0x1c: {  	p1 =	slt.u32 s9, $0xF7A;
	s5 =	simm.s32 @!p2 $0x0  }
0x1d: {  	s5 =	simm.s32 @p1 $0x1;
	p0 =	seq.s32 s7, s2  }
0x1e: {  	s7 =	smul.u32 @!p0 $0xF7A, s2;
	p2 =	seq.s32 @!p0 s5, $0x0  }
0x1f: {  	s9 =	smul.u32 $0xF7A, s1;
	s8 =	simm.s32 @!p0 $0x1BF5;
	p2 =	por !p2, p0  }
0x20: {  	[sflag:s8] =	ssyncset.s32 @!p0 $0xFFFFF086;
	s6 =	sadd.s32 @!p0 s3, s7;
	s7 =	simm.s32 @!p0 $0x108  }
0x21: {  	s3 =	sadd.s32 s3, s9;
	s6 =	sadd.s32 @!p0 $0x88, s6;
	s7 =	simm.s32 @p2 $0x1082  }
0x22: {  	[simem:s7], [sflag:s8] =	dma.local @!p0 [hbm:s6], $0xF7A  }
0x23: {  	s9 =	sor.u32 $0xD0000000, s2;
	s6 =	simm.s32 $0x108;
	_ =	swait.ge @!p0 [sflag:s8], $0x0  }
0x24: {  	s3 =	sadd.s32 $0x88, s3;
	s6 =	simm.s32 @!p1 $0x1082;
	[sflag:s4] =	ssyncset.s32 $0xFFFFF086  }
0x25: {  	[simem:s6], [sflag:s4] =	dma.local [hbm:s3], $0xF7A  }
0x26: {  	[smem:$0x3F96] =	sst s1;
	(tag) =	ssettag s2;
	_ =	strace s9  }
0x27: {  	s1 =	sld [smem:$0x3FA6]  }
0x28: {  	s2 =	sld [smem:$0x3FA7]  }
0x29: {  	s4 =	sld [smem:$0x3FA9]  }
0x2a: {  	p0 =	seq.s32 s5, $0x0;
	s5 =	sld [smem:$0x3FAA]  }
0x2b: {  	s6 =	sld [smem:$0x3FAB]  }
0x2c: {  	s7 =	sld [smem:$0x3FAC]  }
0x2d: {  	s3 =	simm.s32 $0x108;
	s8 =	sld [smem:$0x3FAD]  }
0x2e: {  	s3 =	simm.s32 @!p0 $0x1082;
	s9 =	sld [smem:$0x3FAE]  }
0x2f: {  	lr =	sadd.s32 s0, s3;
	s0 =	sld [smem:$0x3FA5]  }
0x30: {  	s3 =	sld [smem:$0x3FA8]  }
0x31: {  	[smem:$0x3FB1] =	sst s10  }
0x32: {  	s10 =	sld [smem:$0x3FAF];
	_ =	sdelay $0x3  }
0x33: {  	p0 =	seq.s32 s10, $0x1;
	s10 =	sld [smem:$0x3FB1];
	_ =	sdelay $0x3  }
0x34: {  	[smem:$0x3FB1] =	sst s10  }
0x35: {  	s10 =	sld [smem:$0x3FB0];
	_ =	sdelay $0x3  }
0x36: {  	p1 =	seq.s32 s10, $0x1;
	s10 =	sld [smem:$0x3FB1];
	_ =	sdelay $0x3  }
0x37: {  	[smem:$0x3FB1] =	sst s10  }
0x38: {  	s10 =	sld [smem:$0x3FB2]  }
0x39: {  	_ = 	snop;
	(pc) =	sbr.ind lr, $3  }
0x3a: {  	_ = 	snop  }
0x3b: {  	_ = 	snop  }
0x3c: {  	p2 =	seq.s32 s10, $0x1;
	s10 =	sld [smem:$0x3FB1]  }
0x3d: {  	_ =	shalt  }
0x3e: {  	_ =	shalt  }
0x3f: {  	_ =	shalt  }
0x40: {  	_ =	shalt  }
0x41: {  	_ =	shalt  }
0x42: {  	_ =	shalt  }
0x43: {  	_ =	shalt  }
0x44: {  	_ =	shalt  }
0x45: {  	_ =	shalt  }
0x46: {  	_ =	shalt  }
0x47: {  	_ =	shalt  }
0x48: {  	_ =	shalt  }
0x49: {  	_ =	shalt  }
0x4a: {  	_ =	shalt  }
0x4b: {  	_ =	shalt  }
0x4c: {  	_ =	shalt  }
0x4d: {  	_ =	shalt  }
0x4e: {  	_ =	shalt  }
0x4f: {  	_ =	shalt  }
0x50: {  	_ =	shalt  }
0x51: {  	_ =	shalt  }
0x52: {  	_ =	shalt  }
0x53: {  	_ =	shalt  }
0x54: {  	_ =	shalt  }
0x55: {  	_ =	shalt  }
0x56: {  	_ =	shalt  }
0x57: {  	_ =	shalt  }
0x58: {  	_ =	shalt  }
0x59: {  	_ =	shalt  }
0x5a: {  	_ =	shalt  }
0x5b: {  	_ =	shalt  }
0x5c: {  	_ =	shalt  }
0x5d: {  	_ =	shalt  }
0x5e: {  	_ =	shalt  }
0x5f: {  	_ =	shalt  }
0x60: {  	_ =	shalt  }
0x61: {  	_ =	shalt  }
0x62: {  	_ =	shalt  }
0x63: {  	_ =	shalt  }
0x64: {  	_ =	shalt  }
0x65: {  	_ =	shalt  }
0x66: {  	_ =	shalt  }
0x67: {  	_ =	shalt  }
0x68: {  	_ =	shalt  }
0x69: {  	_ =	shalt  }
0x6a: {  	_ =	shalt  }
0x6b: {  	_ =	shalt  }
0x6c: {  	_ =	shalt  }
0x6d: {  	_ =	shalt  }
0x6e: {  	_ =	shalt  }
0x6f: {  	_ =	shalt  }
0x70: {  	_ =	shalt  }
0x71: {  	_ =	shalt  }
0x72: {  	_ =	shalt  }
0x73: {  	_ =	shalt  }
0x74: {  	_ =	shalt  }
0x75: {  	_ =	shalt  }
0x76: {  	_ =	shalt  }
0x77: {  	_ =	shalt  }
0x78: {  	_ =	shalt  }
0x79: {  	_ =	shalt  }
0x7a: {  	_ =	shalt  }
0x7b: {  	_ =	shalt  }
0x7c: {  	_ =	shalt  }
0x7d: {  	_ =	shalt  }
0x7e: {  	_ =	shalt  }
0x7f: {  	_ =	shalt  }
0x80: {  	_ =	shalt  }
0x81: {  	_ =	shalt  }
0x82: {  	_ =	shalt  }
0x83: {  	_ =	shalt  }
0x84: {  	_ =	shalt  }
0x85: {  	_ =	shalt  }
0x86: {  	_ =	shalt  }
0x87: {  	_ =	shalt  }
.Lfunc_end0:
.L_simem_size_0:
called_computation.2_lowered:
.L_overlay_start_0:
0x88: {  	s2 =	sld [smem:$0x3FD9]  }
0x89: {  	s3 =	sld [smem:$0x3FFE];
	_ =	sdelay $0x1  }
0x8a: {  	s1 =	srdreg.scid  }
0x8b: {  	s0 =	sand.u32 $0x1, s1  }
0x8c: {  	s16 =	sshll.u32 s0, $0xA;
	s2 =	sadd.s32 s3, s2  }
0x8d: {  	s2 =	sadd.s32 s2, s16  }
0x8e: {  	[smem:$0x3FBD] =	sst s2  }
0x8f: {  	_ = 	snop  }
0x90: {  	(tm) =	ssettm $0x1  }
0x91: {  	s17 =	sld [smem:$0x3FFB];
	_ =	sdelay $0x3  }
0x92: {  	_ =	strace s17  }
0x93: {  	s2 =	sld [smem:$0x3FFC];
	_ =	sdelay $0x3  }
0x94: {  	_ =	strace s2  }
0x95: {  	s2 =	sld [smem:$0x3FFD];
	_ =	sdelay $0x3  }
0x96: {  	_ =	strace s2  }
0x97: {  	_ =	strace $0x8FFFFFFF  }
0x98: {  	s18 =	sld [smem:$0x3FDB];
	_ =	sdelay $0x1  }
0x99: {  	s19 =	simm.s32 $_scs_section_size  }
0x9a: {  	s4 =	simm.s32 $_size__tile_overlayer_lowered;
	s5 =	simm.s32 $_tile_overlayer_lowered  }
0x9b: {  	s22 =	simm.s32 $0x1BFF;
	s21 =	sshll.u32 s5, $0x1;
	s2 =	sadd.s32 s19, s18  }
0x9c: {  	s6 =	simm.s32 $0x0;
	s20 =	sshll.u32 s4, $0x1;
	s4 =	sadd.s32 s21, s2  }
0x9d: {  	[timem:s6], [sflag:s22] =	dma.local [hbm:s4], s20  }
0x9e: {  	_ =	swait.ge [sflag:s22], s20  }
0x9f: {  	s3 =	ssub.s32 $0x0, s20;
	[sflag:s22] =	ssyncset.done $0x0  }
0xa0: {  	[sflag:s22] =	ssyncadd.s32 s3;
	_ =	sdelay $0x1  }
0xa1: {  	s23 =	simm.s32 $0x1B8B  }
0xa2: {  	_ =	swait.ge [sflag:s23], $0x1  }
0xa3: {  	[sflag:s23] =	ssyncset.done $0x0  }
0xa4: {  	s25 =	simm.s32 $0x1B8E;
	s24 =	sld [smem:$0x3FFE];
	[sflag:s23] =	ssyncadd.s32 $0xFFFFFFFF  }
0xa5: {  	s26 =	simm.s32 $execute0_lowered;
	[smem:$0x3FD2] =	sst s25  }
0xa6: {  	s4 =	sshll.u32 s26, $0x1;
	_ =	strace $0x8000004C;
	[dreg:$0x1] =	wrdreg $0xFFFFFFFF  }
0xa7: {  	s28 =	simm.s32 $_size_execute0_lowered;
	s2 =	sadd.s32 s2, s4;
	[dreg:$0x0] =	wrdreg $0x0  }
0xa8: {  	s4 =	sshll.u32 s28, $0x1;
	[dreg:$0x2] =	wrdreg s2  }
0xa9: {  	[dreg:$0x3] =	wrdreg s4  }
0xaa: {  	[dreg:$0x4] =	wrdreg $0xC0  }
0xab: {  	_ =	task [dreg:s6], $0x5FFFF  }
0xac: {  	[dreg:$0x1] =	wrdreg $0xFFFFFFFF  }
0xad: {  	[dreg:$0x0] =	wrdreg $0x60  }
0xae: {  	[dreg:$0x2] =	wrdreg s24  }
0xaf: {  	[dreg:$0x3] =	wrdreg $0x82000  }
0xb0: {  	[dreg:$0x4] =	wrdreg $0x9  }
0xb1: {  	_ =	task.clear_ibuf [dreg:s6], $0x5FFFF;
	_ =	strace $0x9000004C  }
0xb2: {  	s29 =	simm.s32 $0x9;
	_ =	strace $0x8000004E  }
0xb3: {  	_ =	swait.ge [sflag:s29], $0x1  }
0xb4: {  	[sflag:s29] =	ssyncadd.s32 $0xFFFFFFFF  }
0xb5: {  	_ =	strace $0x9000004E  }
0xb6: {  	_ =	sfence  }
0xb7: {  	s30 =	sld [smem:$0x0];
	_ =	sdelay $0x2  }
0xb8: {  	s31 =	sshll.u32 s1, $0xD;
	s1 =	sshrl.u32 s1, $0x2  }
0xb9: {  	s3 =	sand.u32 $0x4000, s31;
	s1 =	sadd.s32 s1, s30  }
0xba: {  	s0 =	sor.u32 s3, s0;
	s1 =	sshll.u32 s1, $0x11  }
0xbb: {  	s0 =	sor.u32 s1, s0  }
0xbc: {  	s0 =	sadd.s32 $0x8F2B, s0  }
0xbd: {  	[sflag:s0] =	ssyncadd.remote.s32 $0x1  }
0xbe: {  	_ =	sfence.sel $0xFFFF  }
0xbf: {  	[dreg:$0x0] =	wrdreg $0xFFFFFFFF;
	(pc) =	sbr.abs _section_cstart, $3  }
0xc0: {  	[dreg:$0x1] =	wrdreg $0xFFFFFFFF  }
0xc1: {  	_ =	task.clear_ibuf [dreg:s6], $0x2FFFF;
	_ =	strace $0x9FFFFFFF  }
0xc2: {  	(tm) =	ssettm $0x7FFFFFFF  }
0xc3: {  	_ =	shalt  }
tec
execute0_lowered:
.L_overlay_start_1:
0x0: {  	(tag) =	ssettag $0x1  }
0x1: {  	s0 =	rddreg [dreg:$0x0]  }
0x2: {  	s2 =	rddreg [dreg:$0x1]  }
0x3: {  	s3 =	simm.s32 $0x0;
	s18 =	stileid.u32;
	s1 =	srdreg.scid  }
0x4: {  	s15 =	simm.s32 $0x100;
	s16 =	simm.s32 $0x80;
	s17 =	simm.s32 $0x1  }
0x5: {  	s21 =	simm.s32 $0x7;
	s22 =	simm.s32 $0x2;
	s23 =	simm.s32 $0x4200  }
0x6: {  	s24 =	simm.s32 $0x3;
	s28 =	simm.s32 $0x5;
	s29 =	simm.s32 $0x6  }
0x7: {  	s30 =	simm.s32 $0x0;
	[smem:$0x7FF] =	sst s3;
	s7 =	smul.u32 $0x14000, s18  }
0x8: {  	s1 =	sand.u32 $0x1, s1;
	s4 =	sadd.s32 $0x18600, s0;
	s5 =	sadd.s32 $0x4600, s0  }
0x9: {  	s9 =	sshll.u32 s18, $0x1;
	s6 =	sadd.s32 $0xE600, s0;
	s11 =	smul.u32 $0x50000, s18  }
0xa: {  	s31 =	sshll.u32 s18, $0x6;
	s18 =	simm.s32 $0x200;
	_ =	strace $0x8000004D  }
0xb: {  	s8 =	smul.u32 $0x140000, s1;
	s9 =	sor.u32 s1, s9;
	s1 =	ssub.s32 $0x2, s1  }
0xc: {  	s19 =	sor.u32 $0x1C07, s31;
	s10 =	sshrl.u32 s7, $0x3;
	s25 =	sshrl.u32 s1, $0x1  }
0xd: {  	s14 =	sshrl.u32 s11, $0x2;
	s8 =	sadd.s32 s7, s8;
	s7 =	smul.u32 $0x2800, s9  }
0xe: {  	s12 =	sadd.s32 s10, s0;
	s1 =	ssub.s32 s1, s25;
	s20 =	sadd.s32 s14, s2  }
0xf: {  	s25 =	simm.s32 $0x4;
	s8 =	sshrl.u32 s8, $0x3;
	s12 =	sadd.s32 $0x68600, s12  }
0x10: {  	s14 =	smax.u32 s1, $0x1;
	s20 =	sshrl.u32 s20, $0x3;
	s9 =	sshrl.u32 s7, $0x3  }
0x11: {  	s0 =	sadd.s32 s8, s0;
	s26 =	sadd.s32 s5, s9;
	s13 =	sor.u32 $0x10, s9  }
0x12: {  	s9 =	sadd.s32 s6, s9;
	[dreg:$0x3] =	wrdreg s26;
	s10 =	sadd.s32 s5, s13  }
0x13: {  	s11 =	sadd.s32 s6, s13;
	s13 =	sadd.s32 $0x90600, s0;
	s26 =	simm.s32 $0x180  }
.LBB2_1:
0x14: {  	s0 =	rddreg [dreg:$0x3]  }
0x15: {  	[tilespmem:s3], [sflag:$0x1] =	stream.linear.gather [hbm4b:s0+s3], $0x80, $0x38;
	[tilespmem:$0x1C200] =	vst v63  }
0x16: {  	_ = 	snop  }
0x17: {  	[tilespmem:s15], [sflag:$0x1] =	stream.linear.gather [hbm4b:s9+s3], $0x80, $0x38;
	[tilespmem:$0x1C200] =	vst v63  }
0x18: {  	_ = 	snop  }
0x19: {  	[tilespmem:s16], [sflag:$0x2] =	stream.linear.gather [hbm4b:s10+s3], $0x80, $0x38;
	[tilespmem:$0x1C200] =	vst v63  }
0x1a: {  	_ = 	snop  }
0x1b: {  	[tilespmem:s26], [sflag:$0x2] =	stream.linear.gather [hbm4b:s11+s3], $0x80, $0x38;
	[tilespmem:$0x1C200] =	vst v63  }
0x1c: {  	_ =	swait.ge [sflag:s17], $0x80  }
0x1d: {  	[sflag:s17] =	ssyncset.done $0x0  }
0x1e: {  	[sflag:s17] =	ssyncadd.s32 $0xFFFFFF80  }
0x1f: {  	_ =	swait.ge [sflag:s17], $0x80  }
0x20: {  	[sflag:s17] =	ssyncset.done $0x0  }
0x21: {  	[sflag:s17] =	ssyncadd.s32 $0xFFFFFF80  }
0x22: {  	[tilespmem:s18], [sflag:$0x3] =	stream.indirect.gather [hbm4b:s4+s16], $0x80, s3, s16, $0xb8;
	[tilespmem:$0x1C200] =	vst v63  }
0x23: {  	[spmem:s20], [sflag:s19] =	dma.local [hbm:s12], $0x2800  }
0x24: {  	_ =	swait.ge [sflag:s21], $0x2800  }
0x25: {  	[sflag:s21] =	ssyncset.done $0x0  }
0x26: {  	[sflag:s21] =	ssyncadd.s32 $0xFFFFD800  }
0x27: {  	[bflag:$0x0] =	sbarrier.arrive $0xFFFF  }
0x28: {  	_ =	swait.ge [sflag:s22], $0x80  }
0x29: {  	[sflag:s22] =	ssyncset.done $0x0  }
0x2a: {  	[sflag:s22] =	ssyncadd.s32 $0xFFFFFF80  }
0x2b: {  	_ =	swait.ge [sflag:s22], $0x80  }
0x2c: {  	[sflag:s22] =	ssyncset.done $0x0  }
0x2d: {  	[sflag:s22] =	ssyncadd.s32 $0xFFFFFF80  }
0x2e: {  	[tilespmem:s23], [sflag:$0x4] =	stream.indirect.gather [hbm4b:s4+s16], $0x80, s16, s16, $0xb8;
	[tilespmem:$0x1C200] =	vst v63  }
0x2f: {  	_ =	swait.ge [sflag:s24], $0x4000  }
0x30: {  	[sflag:s24] =	ssyncset.done $0x0  }
0x31: {  	[sflag:s24] =	ssyncadd.s32 $0xFFFFC000  }
0x32: {  	[spmem:s2] =	stream.indirect.scatter.add.f32 [tilespmem:s18], [sflag:$0x5], $0x80, s15, s16, $0xb8;
	[tilespmem:$0x1C200] =	vst v63  }
0x33: {  	s8 =	simm.s32 $0x100;
	_ =	swait.ge [sflag:s25], $0x4000  }
0x34: {  	s1 =	sand.u32 $0x7C00, s8;
	[sflag:s25] =	ssyncset.done $0x0  }
0x35: {  	s0 =	sand.u32 $0x300, s8;
	s1 =	sadd.s32 s7, s1;
	[sflag:s25] =	ssyncadd.s32 $0xFFFFC000  }
0x36: {  	[spmem:s2] =	stream.indirect.scatter.add.f32 [tilespmem:s23], [sflag:$0x6], $0x80, s26, s16, $0xb8;
	[tilespmem:$0x1C200] =	vst v63  }
0x37: {  	s0 =	sor.u32 s0, s1;
	_ =	swait.ge [sflag:s28], $0x4000  }
0x38: {  	s0 =	sshrl.u32 s0, $0x3;
	[sflag:s28] =	ssyncset.done $0x0  }
0x39: {  	s8 =	sadd.s32 s5, s0;
	[sflag:s28] =	ssyncadd.s32 $0xFFFFC000  }
0x3a: {  	[tilespmem:s3], [sflag:$0x1] =	stream.linear.gather [hbm4b:s8+s3], $0x80, $0x38;
	[tilespmem:$0x1C200] =	vst v63  }
0x3b: {  	s0 =	sadd.s32 s6, s0  }
0x3c: {  	[tilespmem:s15], [sflag:$0x1] =	stream.linear.gather [hbm4b:s0+s3], $0x80, $0x38;
	[tilespmem:$0x1C200] =	vst v63  }
0x3d: {  	_ =	swait.ge [sflag:s17], $0x80  }
0x3e: {  	[sflag:s17] =	ssyncset.done $0x0  }
0x3f: {  	[sflag:s17] =	ssyncadd.s32 $0xFFFFFF80  }
0x40: {  	_ =	swait.ge [sflag:s17], $0x80  }
0x41: {  	s1 =	sand.u32 $0x7C00, s26;
	[sflag:s17] =	ssyncset.done $0x0  }
0x42: {  	s8 =	sand.u32 $0x380, s26;
	s0 =	sadd.s32 s7, s1;
	[sflag:s17] =	ssyncadd.s32 $0xFFFFFF80  }
0x43: {  	[tilespmem:s18], [sflag:$0x3] =	stream.indirect.gather [hbm4b:s4+s16], $0x80, s3, s16, $0xb8;
	[tilespmem:$0x1C200] =	vst v63  }
0x44: {  	s0 =	sor.u32 s8, s0;
	_ =	swait.ge [sflag:s29], $0x4000  }
0x45: {  	s31 =	simm.s32 $0x280;
	s0 =	sshrl.u32 s0, $0x3;
	[sflag:s29] =	ssyncset.done $0x0  }
0x46: {  	s8 =	sadd.s32 s5, s0;
	s1 =	sadd.s32 s6, s0;
	[sflag:s29] =	ssyncadd.s32 $0xFFFFC000  }
0x47: {  	[tilespmem:s16], [sflag:$0x2] =	stream.linear.gather [hbm4b:s8+s3], $0x80, $0x38;
	[tilespmem:$0x1C200] =	vst v63  }
.LBB2_2:
0x48: {  	p0 =	sne.s32 s31, $0x2780;
	s0 =	smov.u32 s31;
	s31 =	sadd.s32 $0x100, s31  }
0x49: {  	[tilespmem:s26], [sflag:$0x2] =	stream.linear.gather [hbm4b:s1+s3], $0x80, $0x38;
	[tilespmem:$0x1C200] =	vst v63  }
0x4a: {  	_ =	swait.ge [sflag:s22], $0x80  }
0x4b: {  	[sflag:s22] =	ssyncset.done $0x0  }
0x4c: {  	[sflag:s22] =	ssyncadd.s32 $0xFFFFFF80  }
0x4d: {  	_ =	swait.ge [sflag:s22], $0x80  }
0x4e: {  	[sflag:s22] =	ssyncset.done $0x0  }
0x4f: {  	[sflag:s22] =	ssyncadd.s32 $0xFFFFFF80  }
0x50: {  	[tilespmem:s23], [sflag:$0x4] =	stream.indirect.gather [hbm4b:s4+s16], $0x80, s16, s16, $0xb8;
	[tilespmem:$0x1C200] =	vst v63  }
0x51: {  	_ =	swait.ge [sflag:s24], $0x4000  }
0x52: {  	[sflag:s24] =	ssyncset.done $0x0  }
0x53: {  	[sflag:s24] =	ssyncadd.s32 $0xFFFFC000  }
0x54: {  	[spmem:s2] =	stream.indirect.scatter.add.f32 [tilespmem:s18], [sflag:$0x5], $0x80, s15, s16, $0xb8;
	[tilespmem:$0x1C200] =	vst v63  }
0x55: {  	_ =	swait.ge [sflag:s25], $0x4000  }
0x56: {  	s1 =	sadd.s32 $0xFFFFFF80, s0;
	[sflag:s25] =	ssyncset.done $0x0  }
0x57: {  	s8 =	sand.u32 $0x7C00, s1;
	s1 =	sand.u32 $0x300, s1;
	[sflag:s25] =	ssyncadd.s32 $0xFFFFC000  }
0x58: {  	[spmem:s2] =	stream.indirect.scatter.add.f32 [tilespmem:s23], [sflag:$0x6], $0x80, s26, s16, $0xb8;
	[tilespmem:$0x1C200] =	vst v63  }
0x59: {  	s8 =	sadd.s32 s7, s8;
	_ =	swait.ge [sflag:s28], $0x4000  }
0x5a: {  	s1 =	sor.u32 s1, s8;
	[sflag:s28] =	ssyncset.done $0x0  }
0x5b: {  	s1 =	sshrl.u32 s1, $0x3;
	[sflag:s28] =	ssyncadd.s32 $0xFFFFC000  }
0x5c: {  	s8 =	sadd.s32 s5, s1;
	s1 =	sadd.s32 s6, s1  }
0x5d: {  	[tilespmem:s3], [sflag:$0x1] =	stream.linear.gather [hbm4b:s8+s3], $0x80, $0x38;
	[tilespmem:$0x1C200] =	vst v63  }
0x5e: {  	_ = 	snop  }
0x5f: {  	[tilespmem:s15], [sflag:$0x1] =	stream.linear.gather [hbm4b:s1+s3], $0x80, $0x38;
	[tilespmem:$0x1C200] =	vst v63  }
0x60: {  	_ =	swait.ge [sflag:s17], $0x80  }
0x61: {  	[sflag:s17] =	ssyncset.done $0x0  }
0x62: {  	[sflag:s17] =	ssyncadd.s32 $0xFFFFFF80  }
0x63: {  	_ =	swait.ge [sflag:s17], $0x80  }
0x64: {  	s1 =	sand.u32 $0x7C00, s0;
	[sflag:s17] =	ssyncset.done $0x0  }
0x65: {  	s0 =	sand.u32 $0x380, s0;
	s1 =	sadd.s32 s7, s1;
	[sflag:s17] =	ssyncadd.s32 $0xFFFFFF80  }
0x66: {  	[tilespmem:s18], [sflag:$0x3] =	stream.indirect.gather [hbm4b:s4+s16], $0x80, s3, s16, $0xb8;
	[tilespmem:$0x1C200] =	vst v63  }
.Ltmp0:
0x67: {  	_ = 	snop;
	(pc) =	sbr.rel @p0 .LBB2_2-.Ltmp0, $4  }
0x68: {  	s0 =	sor.u32 s0, s1;
	_ =	swait.ge [sflag:s29], $0x4000  }
0x69: {  	s0 =	sshrl.u32 s0, $0x3;
	[sflag:s29] =	ssyncset.done $0x0  }
0x6a: {  	s8 =	sadd.s32 s5, s0;
	s1 =	sadd.s32 s6, s0;
	[sflag:s29] =	ssyncadd.s32 $0xFFFFC000  }
0x6b: {  	[tilespmem:s16], [sflag:$0x2] =	stream.linear.gather [hbm4b:s8+s3], $0x80, $0x38;
	[tilespmem:$0x1C200] =	vst v63  }
0x6c: {  	[tilespmem:s26], [sflag:$0x2] =	stream.linear.gather [hbm4b:s1+s3], $0x80, $0x38;
	[tilespmem:$0x1C200] =	vst v63  }
0x6d: {  	_ =	swait.ge [sflag:s22], $0x80  }
0x6e: {  	[sflag:s22] =	ssyncset.done $0x0  }
0x6f: {  	[sflag:s22] =	ssyncadd.s32 $0xFFFFFF80  }
0x70: {  	_ =	swait.ge [sflag:s22], $0x80  }
0x71: {  	[sflag:s22] =	ssyncset.done $0x0  }
0x72: {  	[sflag:s22] =	ssyncadd.s32 $0xFFFFFF80  }
0x73: {  	[tilespmem:s23], [sflag:$0x4] =	stream.indirect.gather [hbm4b:s4+s16], $0x80, s16, s16, $0xb8;
	[tilespmem:$0x1C200] =	vst v63  }
0x74: {  	_ =	swait.ge [sflag:s24], $0x4000  }
0x75: {  	[sflag:s24] =	ssyncset.done $0x0  }
0x76: {  	[sflag:s24] =	ssyncadd.s32 $0xFFFFC000  }
0x77: {  	[spmem:s2] =	stream.indirect.scatter.add.f32 [tilespmem:s18], [sflag:$0x5], $0x80, s15, s16, $0xb8;
	[tilespmem:$0x1C200] =	vst v63  }
0x78: {  	_ =	swait.ge [sflag:s25], $0x4000  }
0x79: {  	[sflag:s25] =	ssyncset.done $0x0  }
0x7a: {  	[sflag:s25] =	ssyncadd.s32 $0xFFFFC000  }
0x7b: {  	[spmem:s2] =	stream.indirect.scatter.add.f32 [tilespmem:s23], [sflag:$0x6], $0x80, s26, s16, $0xb8;
	[tilespmem:$0x1C200] =	vst v63  }
0x7c: {  	_ =	swait.ge [sflag:s28], $0x4000  }
0x7d: {  	[sflag:s28] =	ssyncset.done $0x0  }
0x7e: {  	[sflag:s28] =	ssyncadd.s32 $0xFFFFC000  }
0x7f: {  	_ =	swait.ge [sflag:s29], $0x4000  }
0x80: {  	s30 =	sadd.s32 $0x1, s30;
	[sflag:s29] =	ssyncset.done $0x0  }
0x81: {  	p0 =	sne.s32 s30, s14;
	[sflag:s29] =	ssyncadd.s32 $0xFFFFC000  }
.Ltmp1:
0x82: {  	[bflag:$0x0] =	sbarrier.arrive $0xFFFF;
	(pc) =	sbr.rel @p0 .LBB2_1-.Ltmp1, $4  }
0x83: {  	[hbm:s13], [sflag:s19] =	dma.local [spmem:s20], $0x2800  }
0x84: {  	_ =	swait.ge [sflag:s21], $0x2800  }
0x85: {  	[sflag:s21] =	ssyncset.done $0x0  }
0x86: {  	[sflag:s21] =	ssyncadd.s32 $0xFFFFD800  }
0x87: {  	_ =	sfence.sel $0x180000  }
0x88: {  	[bflag:$0x0] =	sbarrier.arrive $0xFFFF  }
0x89: {  	_ =	strace $0x9000004D  }
0x8a: {  	s0 =	stileid.u32;
	[bflag:$0x2] =	sbarrier.arrive $0xFFFF  }
0x8b: {  	p0 =	sne.s32 s0, $0x0;
	s0 =	rddreg [dreg:$0x2]  }
0x8c: {  	s0 =	sadd.s32 @!p0 $0x100000, s0  }
0x8d: {  	[sflag:s0] =	ssyncadd.tile.s32 @!p0 $0x1;
	_ =	shalt  }
.Lfunc_end2:
_tile_overlayer_lowered:
.L_overlay_start_2:
0x8e: {  	(tag) =	ssettag $0x2  }
0x8f: {  	s0 =	rddreg [dreg:$0x0];
	s2 =	stileid.u32  }
0x90: {  	s1 =	rddreg [dreg:$0x1];
	p0 =	sne.s32 s2, $0x0  }
0x91: {  	s3 =	rddreg [dreg:$0x2];
	[bflag:$0x3] =	sbarrier.arrive $0xFFFF;
	s2 =	simm.s32 @!p0 $0x1C07  }
0x92: {  	[timem:s3], [sflag:s2] =	dma.local @!p0 [hbm:s0], s1  }
0x93: {  	s0 =	simm.s32 @!p0 $0x7  }
0x94: {  	_ =	swait.ge @!p0 [sflag:s0], s1  }
0x95: {  	s1 =	ssub.s32 @!p0 $0x0, s1;
	[sflag:s0] =	ssyncset.done @!p0 $0x0  }
0x96: {  	[sflag:s0] =	ssyncadd.s32 @!p0 s1  }
0x97: {  	[bflag:$0x3] =	sbarrier.arrive $0xFFFF  }
0x98: {  	_ =	shalt  }

// kernel: kernel.9.cloned.1.call-start
scs
__scs_entry_jumppad:
0x0: {  	(pc) =	sbr.rel $0x88, $3  }
0x1: {  	(tag) =	ssettag $0x0;
	lr =	simm.s32 $0x1  }
0x2: {  	[smem:$0x3F96] =	sst lr;
	_ =	strace $0xD0000000  }
0x3: {  	_ = 	snop  }
0x4: {  	_ = 	snop  }
0x5: {  	_ = 	snop  }
0x6: {  	_ = 	snop  }
0x7: {  	_ = 	snop  }
__scs_overlays_trampoline_lowered:
0x8: {  	[smem:$0x3FA5] =	sst s0  }
0x9: {  	[smem:$0x3FA6] =	sst s1  }
0xa: {  	[smem:$0x3FA7] =	sst s2  }
0xb: {  	[smem:$0x3FA8] =	sst s3  }
0xc: {  	[smem:$0x3FA9] =	sst s4  }
0xd: {  	[smem:$0x3FAA] =	sst s5  }
0xe: {  	[smem:$0x3FAB] =	sst s6  }
0xf: {  	[smem:$0x3FAC] =	sst s7  }
0x10: {  	[smem:$0x3FAD] =	sst s8  }
0x11: {  	[smem:$0x3FAE] =	sst s9;
	s0 =	simm.s32 @!p0 $0x0  }
0x12: {  	s1 =	sld [smem:$0x3F94];
	s0 =	simm.s32 @p0 $0x1  }
0x13: {  	[smem:$0x3FAF] =	sst s0;
	s0 =	simm.s32 @!p1 $0x0  }
0x14: {  	s2 =	sld [smem:$0x3F93];
	s0 =	simm.s32 @p1 $0x1  }
0x15: {  	[smem:$0x3FB0] =	sst s0;
	s0 =	simm.s32 @!p2 $0x0  }
0x16: {  	s3 =	sld [smem:$0x3FDB];
	s0 =	simm.s32 @p2 $0x1  }
0x17: {  	s4 =	simm.s32 $0x1BF5;
	[smem:$0x3FB2] =	sst s0  }
0x18: {  	s0 =	sld [smem:$0x3F95];
	_ =	swait.ge [sflag:s4], $0x0  }
0x19: {  	s7 =	sld [smem:$0x3F96]  }
0x1a: {  	s8 =	sadd.s32 $0xFFFFE003, lr  }
0x1b: {  	s9 =	sadd.s32 $0xFFFFFEF7, lr;
	s5 =	simm.s32 $0xFFFFFFFF;
	p2 =	slt.u32 s8, $0xFFFFF086  }
0x1c: {  	p1 =	slt.u32 s9, $0xF7A;
	s5 =	simm.s32 @!p2 $0x0  }
0x1d: {  	s5 =	simm.s32 @p1 $0x1;
	p0 =	seq.s32 s7, s2  }
0x1e: {  	s7 =	smul.u32 @!p0 $0xF7A, s2;
	p2 =	seq.s32 @!p0 s5, $0x0  }
0x1f: {  	s9 =	smul.u32 $0xF7A, s1;
	s8 =	simm.s32 @!p0 $0x1BF5;
	p2 =	por !p2, p0  }
0x20: {  	[sflag:s8] =	ssyncset.s32 @!p0 $0xFFFFF086;
	s6 =	sadd.s32 @!p0 s3, s7;
	s7 =	simm.s32 @!p0 $0x108  }
0x21: {  	s3 =	sadd.s32 s3, s9;
	s6 =	sadd.s32 @!p0 $0x88, s6;
	s7 =	simm.s32 @p2 $0x1082  }
0x22: {  	[simem:s7], [sflag:s8] =	dma.local @!p0 [hbm:s6], $0xF7A  }
0x23: {  	s9 =	sor.u32 $0xD0000000, s2;
	s6 =	simm.s32 $0x108;
	_ =	swait.ge @!p0 [sflag:s8], $0x0  }
0x24: {  	s3 =	sadd.s32 $0x88, s3;
	s6 =	simm.s32 @!p1 $0x1082;
	[sflag:s4] =	ssyncset.s32 $0xFFFFF086  }
0x25: {  	[simem:s6], [sflag:s4] =	dma.local [hbm:s3], $0xF7A  }
0x26: {  	[smem:$0x3F96] =	sst s1;
	(tag) =	ssettag s2;
	_ =	strace s9  }
0x27: {  	s1 =	sld [smem:$0x3FA6]  }
0x28: {  	s2 =	sld [smem:$0x3FA7]  }
0x29: {  	s4 =	sld [smem:$0x3FA9]  }
0x2a: {  	p0 =	seq.s32 s5, $0x0;
	s5 =	sld [smem:$0x3FAA]  }
0x2b: {  	s6 =	sld [smem:$0x3FAB]  }
0x2c: {  	s7 =	sld [smem:$0x3FAC]  }
0x2d: {  	s3 =	simm.s32 $0x108;
	s8 =	sld [smem:$0x3FAD]  }
0x2e: {  	s3 =	simm.s32 @!p0 $0x1082;
	s9 =	sld [smem:$0x3FAE]  }
0x2f: {  	lr =	sadd.s32 s0, s3;
	s0 =	sld [smem:$0x3FA5]  }
0x30: {  	s3 =	sld [smem:$0x3FA8]  }
0x31: {  	[smem:$0x3FB1] =	sst s10  }
0x32: {  	s10 =	sld [smem:$0x3FAF];
	_ =	sdelay $0x3  }
0x33: {  	p0 =	seq.s32 s10, $0x1;
	s10 =	sld [smem:$0x3FB1];
	_ =	sdelay $0x3  }
0x34: {  	[smem:$0x3FB1] =	sst s10  }
0x35: {  	s10 =	sld [smem:$0x3FB0];
	_ =	sdelay $0x3  }
0x36: {  	p1 =	seq.s32 s10, $0x1;
	s10 =	sld [smem:$0x3FB1];
	_ =	sdelay $0x3  }
0x37: {  	[smem:$0x3FB1] =	sst s10  }
0x38: {  	s10 =	sld [smem:$0x3FB2]  }
0x39: {  	_ = 	snop;
	(pc) =	sbr.ind lr, $3  }
0x3a: {  	_ = 	snop  }
0x3b: {  	_ = 	snop  }
0x3c: {  	p2 =	seq.s32 s10, $0x1;
	s10 =	sld [smem:$0x3FB1]  }
0x3d: {  	_ =	shalt  }
0x3e: {  	_ =	shalt  }
0x3f: {  	_ =	shalt  }
0x40: {  	_ =	shalt  }
0x41: {  	_ =	shalt  }
0x42: {  	_ =	shalt  }
0x43: {  	_ =	shalt  }
0x44: {  	_ =	shalt  }
0x45: {  	_ =	shalt  }
0x46: {  	_ =	shalt  }
0x47: {  	_ =	shalt  }
0x48: {  	_ =	shalt  }
0x49: {  	_ =	shalt  }
0x4a: {  	_ =	shalt  }
0x4b: {  	_ =	shalt  }
0x4c: {  	_ =	shalt  }
0x4d: {  	_ =	shalt  }
0x4e: {  	_ =	shalt  }
0x4f: {  	_ =	shalt  }
0x50: {  	_ =	shalt  }
0x51: {  	_ =	shalt  }
0x52: {  	_ =	shalt  }
0x53: {  	_ =	shalt  }
0x54: {  	_ =	shalt  }
0x55: {  	_ =	shalt  }
0x56: {  	_ =	shalt  }
0x57: {  	_ =	shalt  }
0x58: {  	_ =	shalt  }
0x59: {  	_ =	shalt  }
0x5a: {  	_ =	shalt  }
0x5b: {  	_ =	shalt  }
0x5c: {  	_ =	shalt  }
0x5d: {  	_ =	shalt  }
0x5e: {  	_ =	shalt  }
0x5f: {  	_ =	shalt  }
0x60: {  	_ =	shalt  }
0x61: {  	_ =	shalt  }
0x62: {  	_ =	shalt  }
0x63: {  	_ =	shalt  }
0x64: {  	_ =	shalt  }
0x65: {  	_ =	shalt  }
0x66: {  	_ =	shalt  }
0x67: {  	_ =	shalt  }
0x68: {  	_ =	shalt  }
0x69: {  	_ =	shalt  }
0x6a: {  	_ =	shalt  }
0x6b: {  	_ =	shalt  }
0x6c: {  	_ =	shalt  }
0x6d: {  	_ =	shalt  }
0x6e: {  	_ =	shalt  }
0x6f: {  	_ =	shalt  }
0x70: {  	_ =	shalt  }
0x71: {  	_ =	shalt  }
0x72: {  	_ =	shalt  }
0x73: {  	_ =	shalt  }
0x74: {  	_ =	shalt  }
0x75: {  	_ =	shalt  }
0x76: {  	_ =	shalt  }
0x77: {  	_ =	shalt  }
0x78: {  	_ =	shalt  }
0x79: {  	_ =	shalt  }
0x7a: {  	_ =	shalt  }
0x7b: {  	_ =	shalt  }
0x7c: {  	_ =	shalt  }
0x7d: {  	_ =	shalt  }
0x7e: {  	_ =	shalt  }
0x7f: {  	_ =	shalt  }
0x80: {  	_ =	shalt  }
0x81: {  	_ =	shalt  }
0x82: {  	_ =	shalt  }
0x83: {  	_ =	shalt  }
0x84: {  	_ =	shalt  }
0x85: {  	_ =	shalt  }
0x86: {  	_ =	shalt  }
0x87: {  	_ =	shalt  }
.Lfunc_end0:
.L_simem_size_0:
called_computation_lowered:
.L_overlay_start_0:
0x88: {  	s2 =	sld [smem:$0x3FD9]  }
0x89: {  	s3 =	sld [smem:$0x3FFE];
	_ =	sdelay $0x1  }
0x8a: {  	s1 =	srdreg.scid  }
0x8b: {  	s0 =	sand.u32 $0x1, s1  }
0x8c: {  	s16 =	sshll.u32 s0, $0xA;
	s2 =	sadd.s32 s3, s2  }
0x8d: {  	s2 =	sadd.s32 s2, s16  }
0x8e: {  	[smem:$0x3FBD] =	sst s2  }
0x8f: {  	_ = 	snop  }
0x90: {  	(tm) =	ssettm $0x1  }
0x91: {  	s17 =	sld [smem:$0x3FFB];
	_ =	sdelay $0x3  }
0x92: {  	_ =	strace s17  }
0x93: {  	s2 =	sld [smem:$0x3FFC];
	_ =	sdelay $0x3  }
0x94: {  	_ =	strace s2  }
0x95: {  	s2 =	sld [smem:$0x3FFD];
	_ =	sdelay $0x3  }
0x96: {  	_ =	strace s2  }
0x97: {  	_ =	strace $0x8FFFFFFF  }
0x98: {  	s18 =	sld [smem:$0x3FDB];
	_ =	sdelay $0x1  }
0x99: {  	s19 =	simm.s32 $_scs_section_size  }
0x9a: {  	s4 =	simm.s32 $_size__tile_overlayer_lowered;
	s5 =	simm.s32 $_tile_overlayer_lowered  }
0x9b: {  	s22 =	simm.s32 $0x1BFF;
	s21 =	sshll.u32 s5, $0x1;
	s2 =	sadd.s32 s19, s18  }
0x9c: {  	s6 =	simm.s32 $0x0;
	s20 =	sshll.u32 s4, $0x1;
	s4 =	sadd.s32 s21, s2  }
0x9d: {  	[timem:s6], [sflag:s22] =	dma.local [hbm:s4], s20  }
0x9e: {  	_ =	swait.ge [sflag:s22], s20  }
0x9f: {  	s3 =	ssub.s32 $0x0, s20;
	[sflag:s22] =	ssyncset.done $0x0  }
0xa0: {  	[sflag:s22] =	ssyncadd.s32 s3;
	_ =	sdelay $0x1  }
0xa1: {  	s23 =	simm.s32 $0x1B8B  }
0xa2: {  	_ =	swait.ge [sflag:s23], $0x1  }
0xa3: {  	[sflag:s23] =	ssyncset.done $0x0  }
0xa4: {  	s25 =	simm.s32 $0x1B8E;
	s24 =	sld [smem:$0x3FFE];
	[sflag:s23] =	ssyncadd.s32 $0xFFFFFFFF  }
0xa5: {  	s26 =	simm.s32 $execute0_lowered;
	[smem:$0x3FD2] =	sst s25  }
0xa6: {  	s4 =	sshll.u32 s26, $0x1;
	_ =	strace $0x80000046;
	[dreg:$0x1] =	wrdreg $0xFFFFFFFF  }
0xa7: {  	s28 =	simm.s32 $_size_execute0_lowered;
	s2 =	sadd.s32 s2, s4;
	[dreg:$0x0] =	wrdreg $0x0  }
0xa8: {  	s4 =	sshll.u32 s28, $0x1;
	[dreg:$0x2] =	wrdreg s2  }
0xa9: {  	[dreg:$0x3] =	wrdreg s4  }
0xaa: {  	[dreg:$0x4] =	wrdreg $0xC0  }
0xab: {  	_ =	task [dreg:s6], $0x5FFFF  }
0xac: {  	[dreg:$0x1] =	wrdreg $0xFFFFFFFF  }
0xad: {  	[dreg:$0x0] =	wrdreg $0x60  }
0xae: {  	[dreg:$0x2] =	wrdreg s24  }
0xaf: {  	[dreg:$0x3] =	wrdreg $0x28800  }
0xb0: {  	[dreg:$0x4] =	wrdreg $0x9  }
0xb1: {  	_ =	task.clear_ibuf [dreg:s6], $0x5FFFF;
	_ =	strace $0x90000046  }
0xb2: {  	s29 =	simm.s32 $0x9;
	_ =	strace $0x80000048  }
0xb3: {  	_ =	swait.ge [sflag:s29], $0x1  }
0xb4: {  	[sflag:s29] =	ssyncadd.s32 $0xFFFFFFFF  }
0xb5: {  	_ =	strace $0x90000048  }
0xb6: {  	_ =	sfence  }
0xb7: {  	s30 =	sld [smem:$0x0];
	_ =	sdelay $0x2  }
0xb8: {  	s31 =	sshll.u32 s1, $0xD;
	s1 =	sshrl.u32 s1, $0x2  }
0xb9: {  	s3 =	sand.u32 $0x4000, s31;
	s1 =	sadd.s32 s1, s30  }
0xba: {  	s0 =	sor.u32 s3, s0;
	s1 =	sshll.u32 s1, $0x11  }
0xbb: {  	s0 =	sor.u32 s1, s0  }
0xbc: {  	s0 =	sadd.s32 $0x8F2B, s0  }
0xbd: {  	[sflag:s0] =	ssyncadd.remote.s32 $0x1  }
0xbe: {  	_ =	sfence.sel $0xFFFF  }
0xbf: {  	[dreg:$0x0] =	wrdreg $0xFFFFFFFF;
	(pc) =	sbr.abs _section_cstart, $3  }
0xc0: {  	[dreg:$0x1] =	wrdreg $0xFFFFFFFF  }
0xc1: {  	_ =	task.clear_ibuf [dreg:s6], $0x2FFFF;
	_ =	strace $0x9FFFFFFF  }
0xc2: {  	(tm) =	ssettm $0x7FFFFFFF  }
0xc3: {  	_ =	shalt  }
tec
execute0_lowered:
.L_overlay_start_1:
0x0: {  	(tag) =	ssettag $0x1  }
0x1: {  	s0 =	srdreg.scid  }
0x2: {  	s10 =	stileid.u32;
	s4 =	rddreg [dreg:$0x0]  }
0x3: {  	s1 =	rddreg [dreg:$0x1];
	s2 =	simm.s32 $0x0;
	s13 =	simm.s32 $0x20  }
0x4: {  	s14 =	simm.s32 $0x10;
	s15 =	simm.s32 $0x0;
	s5 =	sand.u32 $0x1, s0  }
0x5: {  	s29 =	sshll.u32 s10, $0x1;
	s0 =	rddreg [dreg:$0x2];
	s6 =	smul.u32 $0x500, s10  }
0x6: {  	[smem:$0x7FF] =	sst s2;
	s9 =	smul.u32 $0xA00, s10;
	p0 =	sne.s32 s10, $0x0  }
0x7: {  	s11 =	sshll.u32 s10, $0x6;
	s10 =	simm.s32 $0x2800;
	s3 =	sor.u32 s5, s29  }
0x8: {  	_ =	strace $0x80000047;
	s8 =	sshll.u32 s5, $0x7;
	s5 =	ssub.s32 $0x2, s5  }
0x9: {  	s11 =	sor.u32 $0x1C01, s11;
	s3 =	smul.u32 $0x500, s3;
	s6 =	sor.u32 s8, s6  }
0xa: {  	s30 =	sshrl.u32 s5, $0x1;
	s31 =	sshrl.u32 s9, $0x2;
	s9 =	simm.s32 $0x80  }
0xb: {  	s6 =	sshrl.u32 s6, $0x3;
	s8 =	ssub.s32 s5, s30;
	s12 =	sadd.s32 s31, s1  }
0xc: {  	s7 =	sadd.s32 s3, s4;
	s3 =	sadd.s32 $0x18600, s4;
	s6 =	sadd.s32 s6, s4  }
0xd: {  	s12 =	sshrl.u32 s12, $0x3;
	s4 =	sadd.s32 $0xE600, s7;
	s5 =	sadd.s32 $0x18C00, s6  }
0xe: {  	v0 =	vimm.f32 $1.000000000e+00;
	s6 =	smax.u32 s8, $0x1;
	s7 =	sshrl.u32 @!p0 s1, $0x3;
	s8 =	simm.s32 $0x1  }
.LBB2_1:
0xf: {  	s16 =	simm.s32 @!p0 $0x1C01  }
0x10: {  	[spmem:s7], [sflag:s16] =	dma.local @!p0 [hbm:s3], $0x500  }
0x11: {  	s16 =	simm.s32 @!p0 $0x1  }
0x12: {  	_ =	swait.ge @!p0 [sflag:s16], $0x500  }
0x13: {  	[sflag:s16] =	ssyncset.done @!p0 $0x0  }
0x14: {  	[sflag:s16] =	ssyncadd.s32 @!p0 $0xFFFFFB00  }
0x15: {  	[tilespmem:$0x2800] =	vst v0  }
0x16: {  	[tilespmem:$0x2810] =	vst v0  }
0x17: {  	[tilespmem:$0x2820] =	vst v0  }
0x18: {  	[tilespmem:$0x2830] =	vst v0  }
0x19: {  	[tilespmem:$0x2840] =	vst v0  }
0x1a: {  	[tilespmem:$0x2850] =	vst v0  }
0x1b: {  	[tilespmem:$0x2860] =	vst v0  }
0x1c: {  	[tilespmem:$0x2870] =	vst v0  }
0x1d: {  	[bflag:$0x0] =	sbarrier.arrive $0xFFFF  }
0x1e: {  	[tilespmem:s2], [sflag:$0x1] =	stream.linear.gather [hbm4b:s4+s2], $0x2800, $0x38;
	[tilespmem:$0x2B00] =	vst v63  }
0x1f: {  	_ =	swait.ge [sflag:s8], $0x2800  }
0x20: {  	[sflag:s8] =	ssyncset.done $0x0  }
0x21: {  	s31 =	simm.s32 $0x0;
	[sflag:s8] =	ssyncadd.s32 $0xFFFFD800  }
0x22: {  	[spmem:s1] =	stream.indirect.scatter.add.f32 [tilespmem:s10], [sflag:$0x1], $0x1, s31, s9, $0xb8;
	[tilespmem:$0x2B00] =	vst v63  }
0x23: {  	_ =	swait.ge [sflag:s8], $0x80  }
0x24: {  	s16 =	simm.s32 $0x200;
	[sflag:s8] =	ssyncset.done $0x0  }
.LBB2_2:
0x25: {  	s17 =	sshra.s32 s16, $0x2;
	[sflag:s8] =	ssyncadd.s32 $0xFFFFFF80;
	p1 =	sne.s32 s16, $0x9E00  }
0x26: {  	[spmem:s1] =	stream.indirect.scatter.add.f32 [tilespmem:s10], [sflag:$0x1], $0x1, s17, s9, $0xb8;
	[tilespmem:$0x2B00] =	vst v63  }
.Ltmp0:
0x27: {  	_ = 	snop;
	(pc) =	sbr.rel @p1 .LBB2_2-.Ltmp0, $4  }
0x28: {  	_ = 	snop  }
0x29: {  	s16 =	sadd.s32 $0x200, s16  }
0x2a: {  	_ =	swait.ge [sflag:s8], $0x80  }
0x2b: {  	[sflag:s8] =	ssyncset.done $0x0  }
0x2c: {  	s15 =	sadd.s32 $0x1, s15  }
0x2d: {  	[sflag:s8] =	ssyncadd.s32 $0xFFFFFF80;
	p1 =	sne.s32 s15, s6  }
.Ltmp1:
0x2e: {  	[bflag:$0x0] =	sbarrier.arrive $0xFFFF;
	(pc) =	sbr.rel @p1 .LBB2_1-.Ltmp1, $4  }
0x2f: {  	[hbm:s5@s13], [sflag:s11] =	dma.strided [spmem:s12@s14], $0x50, s8, $0x10   }
0x30: {  	_ =	swait.ge [sflag:s8], $0x50  }
0x31: {  	[sflag:s8] =	ssyncset.done $0x0  }
0x32: {  	[sflag:s8] =	ssyncadd.s32 $0xFFFFFFB0  }
0x33: {  	_ =	sfence.sel $0x180000  }
0x34: {  	[bflag:$0x0] =	sbarrier.arrive $0xFFFF  }
0x35: {  	_ =	strace $0x90000047  }
0x36: {  	s0 =	sadd.s32 @!p0 $0x100000, s0;
	[bflag:$0x2] =	sbarrier.arrive $0xFFFF  }
0x37: {  	[sflag:s0] =	ssyncadd.tile.s32 @!p0 $0x1;
	_ =	shalt  }
.Lfunc_end2:
_tile_overlayer_lowered:
.L_overlay_start_2:
0x38: {  	(tag) =	ssettag $0x2  }
0x39: {  	s0 =	rddreg [dreg:$0x0];
	s2 =	stileid.u32  }
0x3a: {  	s1 =	rddreg [dreg:$0x1];
	p0 =	sne.s32 s2, $0x0  }
0x3b: {  	s3 =	rddreg [dreg:$0x2];
	[bflag:$0x3] =	sbarrier.arrive $0xFFFF;
	s2 =	simm.s32 @!p0 $0x1C01  }
0x3c: {  	[timem:s3], [sflag:s2] =	dma.local @!p0 [hbm:s0], s1  }
0x3d: {  	s0 =	simm.s32 @!p0 $0x1  }
0x3e: {  	_ =	swait.ge @!p0 [sflag:s0], s1  }
0x3f: {  	s1 =	ssub.s32 @!p0 $0x0, s1;
	[sflag:s0] =	ssyncset.done @!p0 $0x0  }
0x40: {  	[sflag:s0] =	ssyncadd.s32 @!p0 s1  }
0x41: {  	[bflag:$0x3] =	sbarrier.arrive $0xFFFF  }
0x42: {  	_ =	shalt  }

</sc_bundles>
